<compile_context>
chip_gen: v7x
topology: tpu7x:2x2x1
jax: 0.10.2.dev20260603
libtpu: 0.0.44.dev20260713+nightly
codegen_flags: <defaults>
</compile_context>

<pallas_src>
import functools

import jax
import jax.numpy as jnp
from jax import lax
from jax.experimental import pallas as pl
from jax.experimental.pallas import tpu as pltpu
from jax.experimental.pallas import tpu_sc as plsc

N = 10000
D = 128
NP = 10112
NC = 2
NS = 16
NW = NC * NS
ROWS_PT = 80
EROWS = NW * ROWS_PT
EROWS_REAL = 320000 // 128
RPS = NP // NS
RB = 2000

_mesh = plsc.VectorSubcoreMesh(
    core_axis_name="c", subcore_axis_name="s", num_cores=NC, num_subcores=NS)


def _wid():
    return lax.axis_index("s") * NC + lax.axis_index("c")


def _real_rows(wid):
    return jnp.clip(EROWS_REAL - wid * ROWS_PT, 0, ROWS_PT)


def _sc_count_body(ei_hbm, hist_hbm, didx_v, hist_v):
    wid = _wid()

    def zero(i, _):
        hist_v[pl.ds(i * 16, 16)] = jnp.zeros((16,), jnp.float32)
        return 0
    lax.fori_loop(0, NP // 16, zero, 0)

    pltpu.sync_copy(ei_hbm.at[1, pl.ds(wid * ROWS_PT, ROWS_PT)], didx_v)
    ones = jnp.ones((16,), jnp.float32)

    def row(r, _):
        for j in range(8):
            idx = didx_v[r, pl.ds(j * 16, 16)]
            plsc.addupdate_scatter(hist_v, [idx], ones)
        return 0
    lax.fori_loop(0, _real_rows(wid), row, 0)

    pltpu.sync_copy(hist_v, hist_hbm.at[wid])


_sc_count = functools.partial(
    pl.kernel,
    out_type=jax.ShapeDtypeStruct((NW, NP), jnp.float32),
    mesh=_mesh,
    compiler_params=pltpu.CompilerParams(needs_layout_passes=False),
    scratch_types=[
        pltpu.VMEM((ROWS_PT, 128), jnp.int32),
        pltpu.VMEM((NP,), jnp.float32),
    ],
)(_sc_count_body)


def _sc_agg_body(y_hbm, ei_hbm, acc0_hbm, acc1_hbm,
                 sidx_v, didx_v, rows_v, acc_sh, gsem):
    cid = lax.axis_index("c")
    sid = lax.axis_index("s")
    wid = _wid()

    base = sid * RPS

    def zrow(i, _):
        for j in range(8):
            rows_v[0, i, pl.ds(j * 16, 16)] = jnp.zeros((16,), jnp.float32)
        return 0
    lax.fori_loop(0, 128, zrow, 0)

    for k in range(4):
        pltpu.sync_copy(rows_v.at[0], acc_sh.at[pl.ds(base + k * 128, 128)])
    pltpu.sync_copy(rows_v.at[0, pl.ds(0, RPS - 512)],
                    acc_sh.at[pl.ds(base + 512, RPS - 512)])
    plsc.subcore_barrier()

    pltpu.sync_copy(ei_hbm.at[0, pl.ds(wid * ROWS_PT, ROWS_PT)], sidx_v)

    rw = _real_rows(wid)

    @pl.when(rw > 0)
    def _():
        pltpu.async_copy(y_hbm.at[sidx_v.at[0]], rows_v.at[0], gsem)

    def group(g, _):
        gn = jnp.minimum(8, rw - g * 8)
        pltpu.sync_copy(
            ei_hbm.at[1, pl.ds(wid * ROWS_PT + g * 8, 8)], didx_v)

        def chunk(j, _):
            c = g * 8 + j
            buf = lax.rem(c, 2)
            pltpu.make_async_copy(
                y_hbm.at[sidx_v.at[c]], rows_v.at[buf], gsem).wait()

            @pl.when(c + 1 < rw)
            def _():
                pltpu.async_copy(
                    y_hbm.at[sidx_v.at[c + 1]], rows_v.at[1 - buf], gsem)
            pltpu.sync_copy(rows_v.at[buf], acc_sh.at[didx_v.at[j]],
                            add=True)
            return 0
        lax.fori_loop(0, gn, chunk, 0)
        return 0
    lax.fori_loop(0, (rw + 7) // 8, group, 0)

    plsc.subcore_barrier()

    @pl.when(cid == 0)
    def _():
        pltpu.sync_copy(acc_sh.at[pl.ds(base, RPS)],
                        acc0_hbm.at[pl.ds(base, RPS)])

    @pl.when(cid == 1)
    def _():
        pltpu.sync_copy(acc_sh.at[pl.ds(base, RPS)],
                        acc1_hbm.at[pl.ds(base, RPS)])


_sc_agg = functools.partial(
    pl.kernel,
    out_type=[jax.ShapeDtypeStruct((NP, D), jnp.float32),
              jax.ShapeDtypeStruct((NP, D), jnp.float32)],
    mesh=_mesh,
    compiler_params=pltpu.CompilerParams(needs_layout_passes=False),
    scratch_types=[
        pltpu.VMEM((ROWS_PT, 128), jnp.int32),
        pltpu.VMEM((8, 128), jnp.int32),
        pltpu.VMEM((2, 128, D), jnp.float32),
        pltpu.VMEM_SHARED((NP, D), jnp.float32),
        pltpu.SemaphoreType.DMA,
    ],
)(_sc_agg_body)


def _tc_y_body(x_ref, w_ref, h_ref, y_ref):
    xw = jnp.dot(x_ref[...], w_ref[...], preferred_element_type=jnp.float32)
    deg = 1.0 + jnp.sum(h_ref[0], axis=0)
    dinv = lax.rsqrt(deg)
    y_ref[...] = xw * dinv[:, None]


def _tc_y(x, w, hists):
    return pl.pallas_call(
        _tc_y_body,
        grid=(N // RB,),
        in_specs=[
            pl.BlockSpec((RB, D), lambda i: (i, 0)),
            pl.BlockSpec((D, D), lambda i: (0, 0)),
            pl.BlockSpec((1, NW, RB), lambda i: (i, 0, 0)),
        ],
        out_specs=pl.BlockSpec((RB, D), lambda i: (i, 0)),
        out_shape=jax.ShapeDtypeStruct((N, D), jnp.float32),
    )(x, w, hists)


def _tc_head_body(a0, a1, y, h, x_ref, bc, w1, b1, w2, b2, w3, b3, o_ref):
    deg = 1.0 + jnp.sum(h[0], axis=0)
    dinv = lax.rsqrt(deg)
    g = (a0[...] + a1[...] + y[...]) * dinv[:, None] + bc[...]
    g = jnp.maximum(g, 0.0) + x_ref[...]
    z = jnp.maximum(
        jnp.dot(g, w1[...], preferred_element_type=jnp.float32) + b1[...], 0.0)
    z = jnp.maximum(
        jnp.dot(z, w2[...], preferred_element_type=jnp.float32) + b2[...], 0.0)
    o_ref[...] = jnp.dot(z, w3[...], preferred_element_type=jnp.float32) + b3[...]


def _tc_head(acc0, acc1, y, hists, x, bc, w1, b1, w2, b2, w3, b3):
    full = lambda r, c: pl.BlockSpec((r, c), lambda i: (0, 0))
    return pl.pallas_call(
        _tc_head_body,
        grid=(N // RB,),
        in_specs=[
            pl.BlockSpec((RB, D), lambda i: (i, 0)),
            pl.BlockSpec((RB, D), lambda i: (i, 0)),
            pl.BlockSpec((RB, D), lambda i: (i, 0)),
            pl.BlockSpec((1, NW, RB), lambda i: (i, 0, 0)),
            pl.BlockSpec((RB, D), lambda i: (i, 0)),
            full(1, D), full(D, 32), full(1, 32),
            full(32, 32), full(1, 32), full(32, 2), full(1, 2),
        ],
        out_specs=pl.BlockSpec((RB, 2), lambda i: (i, 0)),
        out_shape=jax.ShapeDtypeStruct((N, 2), jnp.float32),
    )(acc0, acc1, y, hists, x, bc, w1, b1, w2, b2, w3, b3)


def kernel(x, edge_index, W_conv, b_conv, W1, b1, W2, b2, W3, b3):
    ei = edge_index.astype(jnp.int32)
    erows = ei.shape[1] // 128
    ei3 = jnp.pad(ei.reshape(2, erows, 128),
                  ((0, 0), (0, EROWS - erows), (0, 0)))

    hists = _sc_count(ei3)
    hs3 = hists[:, :N].reshape(NW, N // RB, RB).transpose(1, 0, 2)
    y = _tc_y(x, W_conv, hs3)
    acc0, acc1 = _sc_agg(y, ei3)

    return _tc_head(acc0, acc1, y, hs3, x, b_conv.reshape(1, D),
                    W1, b1.reshape(1, 32), W2, b2.reshape(1, 32),
                    W3, b3.reshape(1, 2))

# --- scband reference (transcript-rebuilt; emitter-appended) ---
"""Pipeline reference for scband-gnnactor-12884901888485 (READ-ONLY COPY).

The authoritative reference and input builder live on the scoring server;
editing this copy changes nothing except your own understanding.
"""

import jax, jax.numpy as jnp
import numpy as np

IN_CH = 128
N_NODES = 10000
N_EDGES = 320000


def setup_inputs(seed: int = 0) -> dict:
    key = jax.random.key(seed)
    ks = jax.random.split(key, 10)
    x = jax.random.normal(ks[0], (N_NODES, IN_CH), dtype=jnp.float32)
    edge_index = jax.random.randint(ks[1], (2, N_EDGES), 0, N_NODES, dtype=jnp.int64)
    # GCNConv params (PyG-style: linear without bias, separate bias added post-aggregation)
    W_conv = jax.random.normal(ks[2], (IN_CH, IN_CH), dtype=jnp.float32) * (1.0 / np.sqrt(IN_CH))
    b_conv = jnp.zeros((IN_CH,), dtype=jnp.float32)
    W1 = jax.random.normal(ks[3], (IN_CH, 32), dtype=jnp.float32) * (1.0 / np.sqrt(IN_CH))
    b1 = jax.random.normal(ks[4], (32,), dtype=jnp.float32) * 0.01
    W2 = jax.random.normal(ks[5], (32, 32), dtype=jnp.float32) * (1.0 / np.sqrt(32))
    b2 = jax.random.normal(ks[6], (32,), dtype=jnp.float32) * 0.01
    W3 = jax.random.normal(ks[7], (32, 2), dtype=jnp.float32) * (1.0 / np.sqrt(32))
    b3 = jax.random.normal(ks[8], (2,), dtype=jnp.float32) * 0.01
    return {"x": x, "edge_index": edge_index, "W_conv": W_conv, "b_conv": b_conv,
            "W1": W1, "b1": b1, "W2": W2, "b2": b2, "W3": W3, "b3": b3}


def _gcn_conv(x, edge_index, W, b):
    n = x.shape[0]
    # add self-loops (PyG GCNConv default)
    loop = jnp.arange(n, dtype=edge_index.dtype)
    src = jnp.concatenate([edge_index[0], loop])
    dst = jnp.concatenate([edge_index[1], loop])
    xw = x @ W
    deg = jnp.zeros((n,), dtype=x.dtype).at[dst].add(1.0)
    dinv = jnp.where(deg > 0, deg ** -0.5, 0.0)
    norm = dinv[src] * dinv[dst]
    msg = xw[src] * norm[:, None]
    out = jnp.zeros_like(xw).at[dst].add(msg)
    return out + b


def reference(x, edge_index, W_conv, b_conv, W1, b1, W2, b2, W3, b3):
    out = jax.nn.relu(_gcn_conv(x, edge_index, W_conv, b_conv))
    h = out + x
    h = jax.nn.relu(h @ W1 + b1)
    h = jax.nn.relu(h @ W2 + b2)
    h = h @ W3 + b3
    return h

if __name__ == "__main__":
    import jax
    _d = setup_inputs()
    print(jax.jit(kernel)(*tuple(_d.values())))

</pallas_src>

<mosaic_0001>
#map = affine_map<(d0, d1) -> (0, 0, 0)>
#map1 = affine_map<(d0, d1) -> (0, 0)>
module attributes {stable_mosaic.version = 14 : i64} {
  func.func @_sc_count_body(%arg0: i32, %arg1: i32, %arg2: memref<2x2560x128xi32, #tpu.memory_space<hbm>>, %arg3: memref<32x10112xf32, #tpu.memory_space<hbm>>, %arg4: memref<80x128xi32, #tpu.memory_space<vmem>>, %arg5: memref<10112xf32, #tpu.memory_space<vmem>>) attributes {dimension_semantics = [#tpu.dimension_semantics<core_parallel>, #tpu.dimension_semantics<subcore_parallel>], iteration_bounds = array<i64: 2, 16>, scalar_prefetch = 0 : i64, scratch_operands = 2 : i64, tpu.core_type = #tpu.core_type<sc_vector_subcore>, window_params = [{transform_indices = #map}, {transform_indices = #map1}]} {
    %mul3A = arith.constant 2 : i32
    %mul3A_0 = arith.muli %arg1, %mul3A : i32
    %add3A = arith.addi %mul3A_0, %arg0 : i32
    %scan3A = arith.constant 0 : i32
    %scan3A_1 = arith.constant 0 : i32
    %scan3A_2 = arith.constant 632 : i32
    %scan3A_3 = arith.addi %scan3A_1, %scan3A_2 : i32
    %scan3A_4 = arith.constant 1 : i32
    %scan3A_5 = scf.for %scan3A_25 = %scan3A_1 to %scan3A_3 step %scan3A_4 iter_args(%scan3A_26 = %scan3A) -> (i32)  : i32 {
      %broadcast_in_dim3A_27 = arith.constant 0.000000e+00 : f32
      %broadcast_in_dim3A_28 = vector.broadcast %broadcast_in_dim3A_27 : f32 to vector<16xf32>
      %mul3A_29 = arith.constant 16 : i32
      %mul3A_30 = arith.muli %scan3A_25, %mul3A_29 : i32
      %swap3A = arith.index_cast %mul3A_30 : i32 to index
      %swap3A_31 = tpu.vector_load %arg5[%swap3A] {strides = array<i32>} : memref<10112xf32, #tpu.memory_space<vmem>>, vector<16xf32>,
      tpu.vector_store %arg5[%swap3A], %broadcast_in_dim3A_28 {strides = array<i32>} : memref<10112xf32, #tpu.memory_space<vmem>>, vector<16xf32>,
      %scan3A_32 = arith.constant 0 : i32
      scf.yield %scan3A_32 : i32
    }
    %scan3A_6 = arith.constant 632 : i32
    %mul3A_7 = arith.constant 80 : i32
    %mul3A_8 = arith.muli %add3A, %mul3A_7 : i32
    %run_scoped3A = arith.constant 1 : i32
    "tpu.region"() ({
      %run_scoped3A_25 = tpu.sem_alloc : memref<!tpu.dma_semaphore, #tpu.memory_space<semaphore_mem>>
      %dma_start3A = arith.constant 0 : i32
      %dma_start3A_26 = tpu.memref_slice %arg2[%run_scoped3A, %mul3A_8, %dma_start3A] : memref<2x2560x128xi32, #tpu.memory_space<hbm>> -> memref<1x80x128xi32, #tpu.memory_space<hbm>>
      %dma_start3A_27 = tpu.memref_squeeze %dma_start3A_26 : memref<1x80x128xi32, #tpu.memory_space<hbm>> -> memref<80x128xi32, #tpu.memory_space<hbm>>
      %dma_start3A_28 = arith.constant 0 : i32
      %dma_start3A_29 = tpu.memref_slice %arg2[%run_scoped3A, %mul3A_8, %dma_start3A_28] : memref<2x2560x128xi32, #tpu.memory_space<hbm>> -> memref<1x80x128xi32, #tpu.memory_space<hbm>>
      %dma_start3A_30 = tpu.memref_squeeze %dma_start3A_29 : memref<1x80x128xi32, #tpu.memory_space<hbm>> -> memref<80x128xi32, #tpu.memory_space<hbm>>
      tpu.enqueue_dma source(%dma_start3A_30 : memref<80x128xi32, #tpu.memory_space<hbm>>) target(%arg4 : memref<80x128xi32, #tpu.memory_space<vmem>>) target_semaphore(%run_scoped3A_25 : memref<!tpu.dma_semaphore, #tpu.memory_space<semaphore_mem>>)
      %dma_wait3A = arith.constant 0 : i32
      %dma_wait3A_31 = tpu.memref_slice %arg2[%run_scoped3A, %mul3A_8, %dma_wait3A] : memref<2x2560x128xi32, #tpu.memory_space<hbm>> -> memref<1x80x128xi32, #tpu.memory_space<hbm>>
      %dma_wait3A_32 = tpu.memref_squeeze %dma_wait3A_31 : memref<1x80x128xi32, #tpu.memory_space<hbm>> -> memref<80x128xi32, #tpu.memory_space<hbm>>
      %dma_wait3A_33 = arith.constant 0 : i32
      %dma_wait3A_34 = tpu.memref_slice %arg2[%run_scoped3A, %mul3A_8, %dma_wait3A_33] : memref<2x2560x128xi32, #tpu.memory_space<hbm>> -> memref<1x80x128xi32, #tpu.memory_space<hbm>>
      %dma_wait3A_35 = tpu.memref_squeeze %dma_wait3A_34 : memref<1x80x128xi32, #tpu.memory_space<hbm>> -> memref<80x128xi32, #tpu.memory_space<hbm>>
      tpu.wait_dma2 semaphore(%run_scoped3A_25 : memref<!tpu.dma_semaphore, #tpu.memory_space<semaphore_mem>>) src(%dma_wait3A_35 : memref<80x128xi32, #tpu.memory_space<hbm>>) dst(%arg4 : memref<80x128xi32, #tpu.memory_space<vmem>>)
      tpu.yield
    }) : () -> ()
    %broadcast_in_dim3A = arith.constant 1.000000e+00 : f32
    %broadcast_in_dim3A_9 = vector.broadcast %broadcast_in_dim3A : f32 to vector<16xf32>
    %mul3A_10 = arith.constant 80 : i32
    %mul3A_11 = arith.muli %add3A, %mul3A_10 : i32
    %sub3A = arith.constant 2500 : i32
    %sub3A_12 = arith.subi %sub3A, %mul3A_11 : i32
    %jit3A = arith.constant 0 : i32
    %jit3A_13 = arith.constant 80 : i32
    %max3A = arith.maxsi %jit3A, %sub3A_12 : i32
    %min3A = arith.minsi %jit3A_13, %max3A : i32
    %while3A = arith.constant 0 : i32
    %while3A_14 = arith.constant 0 : i32
    %while3A_15 = arith.subi %min3A, %while3A : i32
    %while3A_16 = arith.addi %while3A, %while3A_15 : i32
    %while3A_17 = arith.constant 1 : i32
    %while3A_18 = arith.divsi %while3A_15, %while3A_17 : i32
    %while3A_19 = arith.muli %while3A_18, %while3A_17 : i32
    %while3A_20 = arith.addi %while3A, %while3A_19 : i32
    %while3A_21 = arith.constant 1 : i32
    %while3A_22 = scf.for %while3A_25 = %while3A to %while3A_20 step %while3A_21 iter_args(%while3A_26 = %while3A_14) -> (i32)  : i32 {
      %get3A = arith.index_cast %while3A_25 : i32 to index
      %get3A_27 = arith.constant 0 : index
      %get3A_28 = tpu.vector_load %arg4[%get3A, %get3A_27] {strides = array<i32>} : memref<80x128xi32, #tpu.memory_space<vmem>>, vector<16xi32>,
      tpu.vector_store_idx %arg5[%get3A_28], %broadcast_in_dim3A_9 {add = true} : memref<10112xf32, #tpu.memory_space<vmem>>[vector<16xi32>], vector<16xf32>,
      %get3A_29 = arith.index_cast %while3A_25 : i32 to index
      %get3A_30 = arith.constant 16 : index
      %get3A_31 = tpu.vector_load %arg4[%get3A_29, %get3A_30] {strides = array<i32>} : memref<80x128xi32, #tpu.memory_space<vmem>>, vector<16xi32>,
      tpu.vector_store_idx %arg5[%get3A_31], %broadcast_in_dim3A_9 {add = true} : memref<10112xf32, #tpu.memory_space<vmem>>[vector<16xi32>], vector<16xf32>,
      %get3A_32 = arith.index_cast %while3A_25 : i32 to index
      %get3A_33 = arith.constant 32 : index
      %get3A_34 = tpu.vector_load %arg4[%get3A_32, %get3A_33] {strides = array<i32>} : memref<80x128xi32, #tpu.memory_space<vmem>>, vector<16xi32>,
      tpu.vector_store_idx %arg5[%get3A_34], %broadcast_in_dim3A_9 {add = true} : memref<10112xf32, #tpu.memory_space<vmem>>[vector<16xi32>], vector<16xf32>,
      %get3A_35 = arith.index_cast %while3A_25 : i32 to index
      %get3A_36 = arith.constant 48 : index
      %get3A_37 = tpu.vector_load %arg4[%get3A_35, %get3A_36] {strides = array<i32>} : memref<80x128xi32, #tpu.memory_space<vmem>>, vector<16xi32>,
      tpu.vector_store_idx %arg5[%get3A_37], %broadcast_in_dim3A_9 {add = true} : memref<10112xf32, #tpu.memory_space<vmem>>[vector<16xi32>], vector<16xf32>,
      %get3A_38 = arith.index_cast %while3A_25 : i32 to index
      %get3A_39 = arith.constant 64 : index
      %get3A_40 = tpu.vector_load %arg4[%get3A_38, %get3A_39] {strides = array<i32>} : memref<80x128xi32, #tpu.memory_space<vmem>>, vector<16xi32>,
      tpu.vector_store_idx %arg5[%get3A_40], %broadcast_in_dim3A_9 {add = true} : memref<10112xf32, #tpu.memory_space<vmem>>[vector<16xi32>], vector<16xf32>,
      %get3A_41 = arith.index_cast %while3A_25 : i32 to index
      %get3A_42 = arith.constant 80 : index
      %get3A_43 = tpu.vector_load %arg4[%get3A_41, %get3A_42] {strides = array<i32>} : memref<80x128xi32, #tpu.memory_space<vmem>>, vector<16xi32>,
      tpu.vector_store_idx %arg5[%get3A_43], %broadcast_in_dim3A_9 {add = true} : memref<10112xf32, #tpu.memory_space<vmem>>[vector<16xi32>], vector<16xf32>,
      %get3A_44 = arith.index_cast %while3A_25 : i32 to index
      %get3A_45 = arith.constant 96 : index
      %get3A_46 = tpu.vector_load %arg4[%get3A_44, %get3A_45] {strides = array<i32>} : memref<80x128xi32, #tpu.memory_space<vmem>>, vector<16xi32>,
      tpu.vector_store_idx %arg5[%get3A_46], %broadcast_in_dim3A_9 {add = true} : memref<10112xf32, #tpu.memory_space<vmem>>[vector<16xi32>], vector<16xf32>,
      %get3A_47 = arith.index_cast %while3A_25 : i32 to index
      %get3A_48 = arith.constant 112 : index
      %get3A_49 = tpu.vector_load %arg4[%get3A_47, %get3A_48] {strides = array<i32>} : memref<80x128xi32, #tpu.memory_space<vmem>>, vector<16xi32>,
      tpu.vector_store_idx %arg5[%get3A_49], %broadcast_in_dim3A_9 {add = true} : memref<10112xf32, #tpu.memory_space<vmem>>[vector<16xi32>], vector<16xf32>,
      %while3A_50 = arith.constant 0 : i32
      scf.yield %while3A_50 : i32
    }
    %while3A_23 = arith.constant 1 : i32
    %while3A_24 = scf.for %while3A_25 = %while3A_20 to %while3A_16 step %while3A_23 iter_args(%while3A_26 = %while3A_22) -> (i32)  : i32 {
      %get3A = arith.index_cast %while3A_25 : i32 to index
      %get3A_27 = arith.constant 0 : index
      %get3A_28 = tpu.vector_load %arg4[%get3A, %get3A_27] {strides = array<i32>} : memref<80x128xi32, #tpu.memory_space<vmem>>, vector<16xi32>,
      tpu.vector_store_idx %arg5[%get3A_28], %broadcast_in_dim3A_9 {add = true} : memref<10112xf32, #tpu.memory_space<vmem>>[vector<16xi32>], vector<16xf32>,
      %get3A_29 = arith.index_cast %while3A_25 : i32 to index
      %get3A_30 = arith.constant 16 : index
      %get3A_31 = tpu.vector_load %arg4[%get3A_29, %get3A_30] {strides = array<i32>} : memref<80x128xi32, #tpu.memory_space<vmem>>, vector<16xi32>,
      tpu.vector_store_idx %arg5[%get3A_31], %broadcast_in_dim3A_9 {add = true} : memref<10112xf32, #tpu.memory_space<vmem>>[vector<16xi32>], vector<16xf32>,
      %get3A_32 = arith.index_cast %while3A_25 : i32 to index
      %get3A_33 = arith.constant 32 : index
      %get3A_34 = tpu.vector_load %arg4[%get3A_32, %get3A_33] {strides = array<i32>} : memref<80x128xi32, #tpu.memory_space<vmem>>, vector<16xi32>,
      tpu.vector_store_idx %arg5[%get3A_34], %broadcast_in_dim3A_9 {add = true} : memref<10112xf32, #tpu.memory_space<vmem>>[vector<16xi32>], vector<16xf32>,
      %get3A_35 = arith.index_cast %while3A_25 : i32 to index
      %get3A_36 = arith.constant 48 : index
      %get3A_37 = tpu.vector_load %arg4[%get3A_35, %get3A_36] {strides = array<i32>} : memref<80x128xi32, #tpu.memory_space<vmem>>, vector<16xi32>,
      tpu.vector_store_idx %arg5[%get3A_37], %broadcast_in_dim3A_9 {add = true} : memref<10112xf32, #tpu.memory_space<vmem>>[vector<16xi32>], vector<16xf32>,
      %get3A_38 = arith.index_cast %while3A_25 : i32 to index
      %get3A_39 = arith.constant 64 : index
      %get3A_40 = tpu.vector_load %arg4[%get3A_38, %get3A_39] {strides = array<i32>} : memref<80x128xi32, #tpu.memory_space<vmem>>, vector<16xi32>,
      tpu.vector_store_idx %arg5[%get3A_40], %broadcast_in_dim3A_9 {add = true} : memref<10112xf32, #tpu.memory_space<vmem>>[vector<16xi32>], vector<16xf32>,
      %get3A_41 = arith.index_cast %while3A_25 : i32 to index
      %get3A_42 = arith.constant 80 : index
      %get3A_43 = tpu.vector_load %arg4[%get3A_41, %get3A_42] {strides = array<i32>} : memref<80x128xi32, #tpu.memory_space<vmem>>, vector<16xi32>,
      tpu.vector_store_idx %arg5[%get3A_43], %broadcast_in_dim3A_9 {add = true} : memref<10112xf32, #tpu.memory_space<vmem>>[vector<16xi32>], vector<16xf32>,
      %get3A_44 = arith.index_cast %while3A_25 : i32 to index
      %get3A_45 = arith.constant 96 : index
      %get3A_46 = tpu.vector_load %arg4[%get3A_44, %get3A_45] {strides = array<i32>} : memref<80x128xi32, #tpu.memory_space<vmem>>, vector<16xi32>,
      tpu.vector_store_idx %arg5[%get3A_46], %broadcast_in_dim3A_9 {add = true} : memref<10112xf32, #tpu.memory_space<vmem>>[vector<16xi32>], vector<16xf32>,
      %get3A_47 = arith.index_cast %while3A_25 : i32 to index
      %get3A_48 = arith.constant 112 : index
      %get3A_49 = tpu.vector_load %arg4[%get3A_47, %get3A_48] {strides = array<i32>} : memref<80x128xi32, #tpu.memory_space<vmem>>, vector<16xi32>,
      tpu.vector_store_idx %arg5[%get3A_49], %broadcast_in_dim3A_9 {add = true} : memref<10112xf32, #tpu.memory_space<vmem>>[vector<16xi32>], vector<16xf32>,
      %while3A_50 = arith.constant 0 : i32
      scf.yield %while3A_50 : i32
    }
    "tpu.region"() ({
      %run_scoped3A_25 = tpu.sem_alloc : memref<!tpu.dma_semaphore, #tpu.memory_space<semaphore_mem>>
      %dma_start3A = arith.constant 0 : i32
      %dma_start3A_26 = tpu.memref_slice %arg3[%add3A, %dma_start3A] : memref<32x10112xf32, #tpu.memory_space<hbm>> -> memref<1x10112xf32, #tpu.memory_space<hbm>>
      %dma_start3A_27 = tpu.memref_squeeze %dma_start3A_26 : memref<1x10112xf32, #tpu.memory_space<hbm>> -> memref<10112xf32, #tpu.memory_space<hbm>>
      %dma_start3A_28 = arith.constant 0 : i32
      %dma_start3A_29 = tpu.memref_slice %arg3[%add3A, %dma_start3A_28] : memref<32x10112xf32, #tpu.memory_space<hbm>> -> memref<1x10112xf32, #tpu.memory_space<hbm>>
      %dma_start3A_30 = tpu.memref_squeeze %dma_start3A_29 : memref<1x10112xf32, #tpu.memory_space<hbm>> -> memref<10112xf32, #tpu.memory_space<hbm>>
      tpu.enqueue_dma source(%arg5 : memref<10112xf32, #tpu.memory_space<vmem>>) target(%dma_start3A_30 : memref<10112xf32, #tpu.memory_space<hbm>>) target_semaphore(%run_scoped3A_25 : memref<!tpu.dma_semaphore, #tpu.memory_space<semaphore_mem>>)
      %dma_wait3A = arith.constant 0 : i32
      %dma_wait3A_31 = tpu.memref_slice %arg3[%add3A, %dma_wait3A] : memref<32x10112xf32, #tpu.memory_space<hbm>> -> memref<1x10112xf32, #tpu.memory_space<hbm>>
      %dma_wait3A_32 = tpu.memref_squeeze %dma_wait3A_31 : memref<1x10112xf32, #tpu.memory_space<hbm>> -> memref<10112xf32, #tpu.memory_space<hbm>>
      %dma_wait3A_33 = arith.constant 0 : i32
      %dma_wait3A_34 = tpu.memref_slice %arg3[%add3A, %dma_wait3A_33] : memref<32x10112xf32, #tpu.memory_space<hbm>> -> memref<1x10112xf32, #tpu.memory_space<hbm>>
      %dma_wait3A_35 = tpu.memref_squeeze %dma_wait3A_34 : memref<1x10112xf32, #tpu.memory_space<hbm>> -> memref<10112xf32, #tpu.memory_space<hbm>>
      tpu.wait_dma2 semaphore(%run_scoped3A_25 : memref<!tpu.dma_semaphore, #tpu.memory_space<semaphore_mem>>) src(%arg5 : memref<10112xf32, #tpu.memory_space<vmem>>) dst(%dma_wait3A_35 : memref<10112xf32, #tpu.memory_space<hbm>>)
      tpu.yield
    }) : () -> ()
    return
  }
}

#map = affine_map<(d0, d1) -> (0, 0)>
#map1 = affine_map<(d0, d1) -> (0, 0, 0)>
module attributes {stable_mosaic.version = 14 : i64} {
  func.func @_sc_agg_body(%arg0: i32, %arg1: i32, %arg2: memref<10000x128xf32, #tpu.memory_space<hbm>>, %arg3: memref<2x2560x128xi32, #tpu.memory_space<hbm>>, %arg4: memref<10112x128xf32, #tpu.memory_space<hbm>>, %arg5: memref<10112x128xf32, #tpu.memory_space<hbm>>, %arg6: memref<80x128xi32, #tpu.memory_space<vmem>>, %arg7: memref<8x128xi32, #tpu.memory_space<vmem>>, %arg8: memref<2x128x128xf32, #tpu.memory_space<vmem>>, %arg9: memref<10112x128xf32, #tpu.memory_space<vmem_shared>>, %arg10: memref<!tpu.dma_semaphore, #tpu.memory_space<semaphore_mem>>) attributes {dimension_semantics = [#tpu.dimension_semantics<core_parallel>, #tpu.dimension_semantics<subcore_parallel>], iteration_bounds = array<i64: 2, 16>, scalar_prefetch = 0 : i64, scratch_operands = 5 : i64, tpu.core_type = #tpu.core_type<sc_vector_subcore>, window_params = [{transform_indices = #map}, {transform_indices = #map1}, {transform_indices = #map}, {transform_indices = #map}]} {
    %mul3A = arith.constant 2 : i32
    %mul3A_0 = arith.muli %arg1, %mul3A : i32
    %add3A = arith.addi %mul3A_0, %arg0 : i32
    %mul3A_1 = arith.constant 632 : i32
    %mul3A_2 = arith.muli %arg1, %mul3A_1 : i32
    %scan3A = arith.constant 0 : i32
    %scan3A_3 = arith.constant 0 : i32
    %scan3A_4 = arith.constant 128 : i32
    %scan3A_5 = arith.addi %scan3A_3, %scan3A_4 : i32
    %scan3A_6 = arith.constant 1 : i32
    %scan3A_7 = scf.for %scan3A_73 = %scan3A_3 to %scan3A_5 step %scan3A_6 iter_args(%scan3A_74 = %scan3A) -> (i32)  : i32 {
      %broadcast_in_dim3A = arith.constant 0.000000e+00 : f32
      %broadcast_in_dim3A_75 = vector.broadcast %broadcast_in_dim3A : f32 to vector<16xf32>
      %swap3A = arith.constant 0 : i32
      %swap3A_76 = arith.index_cast %swap3A : i32 to index
      %swap3A_77 = arith.index_cast %scan3A_73 : i32 to index
      %swap3A_78 = arith.constant 0 : index
      %swap3A_79 = tpu.vector_load %arg8[%swap3A_76, %swap3A_77, %swap3A_78] {strides = array<i32>} : memref<2x128x128xf32, #tpu.memory_space<vmem>>, vector<16xf32>,
      tpu.vector_store %arg8[%swap3A_76, %swap3A_77, %swap3A_78], %broadcast_in_dim3A_75 {strides = array<i32>} : memref<2x128x128xf32, #tpu.memory_space<vmem>>, vector<16xf32>,
      %broadcast_in_dim3A_80 = arith.constant 0.000000e+00 : f32
      %broadcast_in_dim3A_81 = vector.broadcast %broadcast_in_dim3A_80 : f32 to vector<16xf32>
      %swap3A_82 = arith.constant 0 : i32
      %swap3A_83 = arith.index_cast %swap3A_82 : i32 to index
      %swap3A_84 = arith.index_cast %scan3A_73 : i32 to index
      %swap3A_85 = arith.constant 16 : index
      %swap3A_86 = tpu.vector_load %arg8[%swap3A_83, %swap3A_84, %swap3A_85] {strides = array<i32>} : memref<2x128x128xf32, #tpu.memory_space<vmem>>, vector<16xf32>,
      tpu.vector_store %arg8[%swap3A_83, %swap3A_84, %swap3A_85], %broadcast_in_dim3A_81 {strides = array<i32>} : memref<2x128x128xf32, #tpu.memory_space<vmem>>, vector<16xf32>,
      %broadcast_in_dim3A_87 = arith.constant 0.000000e+00 : f32
      %broadcast_in_dim3A_88 = vector.broadcast %broadcast_in_dim3A_87 : f32 to vector<16xf32>
      %swap3A_89 = arith.constant 0 : i32
      %swap3A_90 = arith.index_cast %swap3A_89 : i32 to index
      %swap3A_91 = arith.index_cast %scan3A_73 : i32 to index
      %swap3A_92 = arith.constant 32 : index
      %swap3A_93 = tpu.vector_load %arg8[%swap3A_90, %swap3A_91, %swap3A_92] {strides = array<i32>} : memref<2x128x128xf32, #tpu.memory_space<vmem>>, vector<16xf32>,
      tpu.vector_store %arg8[%swap3A_90, %swap3A_91, %swap3A_92], %broadcast_in_dim3A_88 {strides = array<i32>} : memref<2x128x128xf32, #tpu.memory_space<vmem>>, vector<16xf32>,
      %broadcast_in_dim3A_94 = arith.constant 0.000000e+00 : f32
      %broadcast_in_dim3A_95 = vector.broadcast %broadcast_in_dim3A_94 : f32 to vector<16xf32>
      %swap3A_96 = arith.constant 0 : i32
      %swap3A_97 = arith.index_cast %swap3A_96 : i32 to index
      %swap3A_98 = arith.index_cast %scan3A_73 : i32 to index
      %swap3A_99 = arith.constant 48 : index
      %swap3A_100 = tpu.vector_load %arg8[%swap3A_97, %swap3A_98, %swap3A_99] {strides = array<i32>} : memref<2x128x128xf32, #tpu.memory_space<vmem>>, vector<16xf32>,
      tpu.vector_store %arg8[%swap3A_97, %swap3A_98, %swap3A_99], %broadcast_in_dim3A_95 {strides = array<i32>} : memref<2x128x128xf32, #tpu.memory_space<vmem>>, vector<16xf32>,
      %broadcast_in_dim3A_101 = arith.constant 0.000000e+00 : f32
      %broadcast_in_dim3A_102 = vector.broadcast %broadcast_in_dim3A_101 : f32 to vector<16xf32>
      %swap3A_103 = arith.constant 0 : i32
      %swap3A_104 = arith.index_cast %swap3A_103 : i32 to index
      %swap3A_105 = arith.index_cast %scan3A_73 : i32 to index
      %swap3A_106 = arith.constant 64 : index
      %swap3A_107 = tpu.vector_load %arg8[%swap3A_104, %swap3A_105, %swap3A_106] {strides = array<i32>} : memref<2x128x128xf32, #tpu.memory_space<vmem>>, vector<16xf32>,
      tpu.vector_store %arg8[%swap3A_104, %swap3A_105, %swap3A_106], %broadcast_in_dim3A_102 {strides = array<i32>} : memref<2x128x128xf32, #tpu.memory_space<vmem>>, vector<16xf32>,
      %broadcast_in_dim3A_108 = arith.constant 0.000000e+00 : f32
      %broadcast_in_dim3A_109 = vector.broadcast %broadcast_in_dim3A_108 : f32 to vector<16xf32>
      %swap3A_110 = arith.constant 0 : i32
      %swap3A_111 = arith.index_cast %swap3A_110 : i32 to index
      %swap3A_112 = arith.index_cast %scan3A_73 : i32 to index
      %swap3A_113 = arith.constant 80 : index
      %swap3A_114 = tpu.vector_load %arg8[%swap3A_111, %swap3A_112, %swap3A_113] {strides = array<i32>} : memref<2x128x128xf32, #tpu.memory_space<vmem>>, vector<16xf32>,
      tpu.vector_store %arg8[%swap3A_111, %swap3A_112, %swap3A_113], %broadcast_in_dim3A_109 {strides = array<i32>} : memref<2x128x128xf32, #tpu.memory_space<vmem>>, vector<16xf32>,
      %broadcast_in_dim3A_115 = arith.constant 0.000000e+00 : f32
      %broadcast_in_dim3A_116 = vector.broadcast %broadcast_in_dim3A_115 : f32 to vector<16xf32>
      %swap3A_117 = arith.constant 0 : i32
      %swap3A_118 = arith.index_cast %swap3A_117 : i32 to index
      %swap3A_119 = arith.index_cast %scan3A_73 : i32 to index
      %swap3A_120 = arith.constant 96 : index
      %swap3A_121 = tpu.vector_load %arg8[%swap3A_118, %swap3A_119, %swap3A_120] {strides = array<i32>} : memref<2x128x128xf32, #tpu.memory_space<vmem>>, vector<16xf32>,
      tpu.vector_store %arg8[%swap3A_118, %swap3A_119, %swap3A_120], %broadcast_in_dim3A_116 {strides = array<i32>} : memref<2x128x128xf32, #tpu.memory_space<vmem>>, vector<16xf32>,
      %broadcast_in_dim3A_122 = arith.constant 0.000000e+00 : f32
      %broadcast_in_dim3A_123 = vector.broadcast %broadcast_in_dim3A_122 : f32 to vector<16xf32>
      %swap3A_124 = arith.constant 0 : i32
      %swap3A_125 = arith.index_cast %swap3A_124 : i32 to index
      %swap3A_126 = arith.index_cast %scan3A_73 : i32 to index
      %swap3A_127 = arith.constant 112 : index
      %swap3A_128 = tpu.vector_load %arg8[%swap3A_125, %swap3A_126, %swap3A_127] {strides = array<i32>} : memref<2x128x128xf32, #tpu.memory_space<vmem>>, vector<16xf32>,
      tpu.vector_store %arg8[%swap3A_125, %swap3A_126, %swap3A_127], %broadcast_in_dim3A_123 {strides = array<i32>} : memref<2x128x128xf32, #tpu.memory_space<vmem>>, vector<16xf32>,
      %scan3A_129 = arith.constant 0 : i32
      scf.yield %scan3A_129 : i32
    }
    %scan3A_8 = arith.constant 128 : i32
    %add3A_9 = arith.constant 0 : i32
    %add3A_10 = arith.addi %mul3A_2, %add3A_9 : i32
    %run_scoped3A = arith.constant 0 : i32
    "tpu.region"() ({
      %run_scoped3A_73 = tpu.sem_alloc : memref<!tpu.dma_semaphore, #tpu.memory_space<semaphore_mem>>
      %dma_start3A = arith.constant 0 : i32
      %dma_start3A_74 = arith.constant 0 : i32
      %dma_start3A_75 = tpu.memref_slice %arg8[%run_scoped3A, %dma_start3A, %dma_start3A_74] : memref<2x128x128xf32, #tpu.memory_space<vmem>> -> memref<1x128x128xf32, #tpu.memory_space<vmem>>
      %dma_start3A_76 = tpu.memref_squeeze %dma_start3A_75 : memref<1x128x128xf32, #tpu.memory_space<vmem>> -> memref<128x128xf32, #tpu.memory_space<vmem>>
      %dma_start3A_77 = arith.constant 0 : i32
      %dma_start3A_78 = tpu.memref_slice %arg9[%add3A_10, %dma_start3A_77] : memref<10112x128xf32, #tpu.memory_space<vmem_shared>> -> memref<128x128xf32, #tpu.memory_space<vmem_shared>>
      %dma_start3A_79 = arith.constant 0 : i32
      %dma_start3A_80 = tpu.memref_slice %arg9[%add3A_10, %dma_start3A_79] : memref<10112x128xf32, #tpu.memory_space<vmem_shared>> -> memref<128x128xf32, #tpu.memory_space<vmem_shared>>
      %dma_start3A_81 = arith.constant 0 : i32
      %dma_start3A_82 = arith.constant 0 : i32
      %dma_start3A_83 = tpu.memref_slice %arg8[%run_scoped3A, %dma_start3A_81, %dma_start3A_82] : memref<2x128x128xf32, #tpu.memory_space<vmem>> -> memref<1x128x128xf32, #tpu.memory_space<vmem>>
      %dma_start3A_84 = tpu.memref_squeeze %dma_start3A_83 : memref<1x128x128xf32, #tpu.memory_space<vmem>> -> memref<128x128xf32, #tpu.memory_space<vmem>>
      tpu.enqueue_dma source(%dma_start3A_84 : memref<128x128xf32, #tpu.memory_space<vmem>>) target(%dma_start3A_80 : memref<128x128xf32, #tpu.memory_space<vmem_shared>>) target_semaphore(%run_scoped3A_73 : memref<!tpu.dma_semaphore, #tpu.memory_space<semaphore_mem>>)
      %dma_wait3A = arith.constant 0 : i32
      %dma_wait3A_85 = arith.constant 0 : i32
      %dma_wait3A_86 = tpu.memref_slice %arg8[%run_scoped3A, %dma_wait3A, %dma_wait3A_85] : memref<2x128x128xf32, #tpu.memory_space<vmem>> -> memref<1x128x128xf32, #tpu.memory_space<vmem>>
      %dma_wait3A_87 = tpu.memref_squeeze %dma_wait3A_86 : memref<1x128x128xf32, #tpu.memory_space<vmem>> -> memref<128x128xf32, #tpu.memory_space<vmem>>
      %dma_wait3A_88 = arith.constant 0 : i32
      %dma_wait3A_89 = tpu.memref_slice %arg9[%add3A_10, %dma_wait3A_88] : memref<10112x128xf32, #tpu.memory_space<vmem_shared>> -> memref<128x128xf32, #tpu.memory_space<vmem_shared>>
      %dma_wait3A_90 = arith.constant 0 : i32
      %dma_wait3A_91 = tpu.memref_slice %arg9[%add3A_10, %dma_wait3A_90] : memref<10112x128xf32, #tpu.memory_space<vmem_shared>> -> memref<128x128xf32, #tpu.memory_space<vmem_shared>>
      %dma_wait3A_92 = arith.constant 0 : i32
      %dma_wait3A_93 = arith.constant 0 : i32
      %dma_wait3A_94 = tpu.memref_slice %arg8[%run_scoped3A, %dma_wait3A_92, %dma_wait3A_93] : memref<2x128x128xf32, #tpu.memory_space<vmem>> -> memref<1x128x128xf32, #tpu.memory_space<vmem>>
      %dma_wait3A_95 = tpu.memref_squeeze %dma_wait3A_94 : memref<1x128x128xf32, #tpu.memory_space<vmem>> -> memref<128x128xf32, #tpu.memory_space<vmem>>
      tpu.wait_dma2 semaphore(%run_scoped3A_73 : memref<!tpu.dma_semaphore, #tpu.memory_space<semaphore_mem>>) src(%dma_wait3A_95 : memref<128x128xf32, #tpu.memory_space<vmem>>) dst(%dma_wait3A_91 : memref<128x128xf32, #tpu.memory_space<vmem_shared>>)
      tpu.yield
    }) : () -> ()
    %add3A_11 = arith.constant 128 : i32
    %add3A_12 = arith.addi %mul3A_2, %add3A_11 : i32
    %run_scoped3A_13 = arith.constant 0 : i32
    "tpu.region"() ({
      %run_scoped3A_73 = tpu.sem_alloc : memref<!tpu.dma_semaphore, #tpu.memory_space<semaphore_mem>>
      %dma_start3A = arith.constant 0 : i32
      %dma_start3A_74 = arith.constant 0 : i32
      %dma_start3A_75 = tpu.memref_slice %arg8[%run_scoped3A_13, %dma_start3A, %dma_start3A_74] : memref<2x128x128xf32, #tpu.memory_space<vmem>> -> memref<1x128x128xf32, #tpu.memory_space<vmem>>
      %dma_start3A_76 = tpu.memref_squeeze %dma_start3A_75 : memref<1x128x128xf32, #tpu.memory_space<vmem>> -> memref<128x128xf32, #tpu.memory_space<vmem>>
      %dma_start3A_77 = arith.constant 0 : i32
      %dma_start3A_78 = tpu.memref_slice %arg9[%add3A_12, %dma_start3A_77] : memref<10112x128xf32, #tpu.memory_space<vmem_shared>> -> memref<128x128xf32, #tpu.memory_space<vmem_shared>>
      %dma_start3A_79 = arith.constant 0 : i32
      %dma_start3A_80 = tpu.memref_slice %arg9[%add3A_12, %dma_start3A_79] : memref<10112x128xf32, #tpu.memory_space<vmem_shared>> -> memref<128x128xf32, #tpu.memory_space<vmem_shared>>
      %dma_start3A_81 = arith.constant 0 : i32
      %dma_start3A_82 = arith.constant 0 : i32
      %dma_start3A_83 = tpu.memref_slice %arg8[%run_scoped3A_13, %dma_start3A_81, %dma_start3A_82] : memref<2x128x128xf32, #tpu.memory_space<vmem>> -> memref<1x128x128xf32, #tpu.memory_space<vmem>>
      %dma_start3A_84 = tpu.memref_squeeze %dma_start3A_83 : memref<1x128x128xf32, #tpu.memory_space<vmem>> -> memref<128x128xf32, #tpu.memory_space<vmem>>
      tpu.enqueue_dma source(%dma_start3A_84 : memref<128x128xf32, #tpu.memory_space<vmem>>) target(%dma_start3A_80 : memref<128x128xf32, #tpu.memory_space<vmem_shared>>) target_semaphore(%run_scoped3A_73 : memref<!tpu.dma_semaphore, #tpu.memory_space<semaphore_mem>>)
      %dma_wait3A = arith.constant 0 : i32
      %dma_wait3A_85 = arith.constant 0 : i32
      %dma_wait3A_86 = tpu.memref_slice %arg8[%run_scoped3A_13, %dma_wait3A, %dma_wait3A_85] : memref<2x128x128xf32, #tpu.memory_space<vmem>> -> memref<1x128x128xf32, #tpu.memory_space<vmem>>
      %dma_wait3A_87 = tpu.memref_squeeze %dma_wait3A_86 : memref<1x128x128xf32, #tpu.memory_space<vmem>> -> memref<128x128xf32, #tpu.memory_space<vmem>>
      %dma_wait3A_88 = arith.constant 0 : i32
      %dma_wait3A_89 = tpu.memref_slice %arg9[%add3A_12, %dma_wait3A_88] : memref<10112x128xf32, #tpu.memory_space<vmem_shared>> -> memref<128x128xf32, #tpu.memory_space<vmem_shared>>
      %dma_wait3A_90 = arith.constant 0 : i32
      %dma_wait3A_91 = tpu.memref_slice %arg9[%add3A_12, %dma_wait3A_90] : memref<10112x128xf32, #tpu.memory_space<vmem_shared>> -> memref<128x128xf32, #tpu.memory_space<vmem_shared>>
      %dma_wait3A_92 = arith.constant 0 : i32
      %dma_wait3A_93 = arith.constant 0 : i32
      %dma_wait3A_94 = tpu.memref_slice %arg8[%run_scoped3A_13, %dma_wait3A_92, %dma_wait3A_93] : memref<2x128x128xf32, #tpu.memory_space<vmem>> -> memref<1x128x128xf32, #tpu.memory_space<vmem>>
      %dma_wait3A_95 = tpu.memref_squeeze %dma_wait3A_94 : memref<1x128x128xf32, #tpu.memory_space<vmem>> -> memref<128x128xf32, #tpu.memory_space<vmem>>
      tpu.wait_dma2 semaphore(%run_scoped3A_73 : memref<!tpu.dma_semaphore, #tpu.memory_space<semaphore_mem>>) src(%dma_wait3A_95 : memref<128x128xf32, #tpu.memory_space<vmem>>) dst(%dma_wait3A_91 : memref<128x128xf32, #tpu.memory_space<vmem_shared>>)
      tpu.yield
    }) : () -> ()
    %add3A_14 = arith.constant 256 : i32
    %add3A_15 = arith.addi %mul3A_2, %add3A_14 : i32
    %run_scoped3A_16 = arith.constant 0 : i32
    "tpu.region"() ({
      %run_scoped3A_73 = tpu.sem_alloc : memref<!tpu.dma_semaphore, #tpu.memory_space<semaphore_mem>>
      %dma_start3A = arith.constant 0 : i32
      %dma_start3A_74 = arith.constant 0 : i32
      %dma_start3A_75 = tpu.memref_slice %arg8[%run_scoped3A_16, %dma_start3A, %dma_start3A_74] : memref<2x128x128xf32, #tpu.memory_space<vmem>> -> memref<1x128x128xf32, #tpu.memory_space<vmem>>
      %dma_start3A_76 = tpu.memref_squeeze %dma_start3A_75 : memref<1x128x128xf32, #tpu.memory_space<vmem>> -> memref<128x128xf32, #tpu.memory_space<vmem>>
      %dma_start3A_77 = arith.constant 0 : i32
      %dma_start3A_78 = tpu.memref_slice %arg9[%add3A_15, %dma_start3A_77] : memref<10112x128xf32, #tpu.memory_space<vmem_shared>> -> memref<128x128xf32, #tpu.memory_space<vmem_shared>>
      %dma_start3A_79 = arith.constant 0 : i32
      %dma_start3A_80 = tpu.memref_slice %arg9[%add3A_15, %dma_start3A_79] : memref<10112x128xf32, #tpu.memory_space<vmem_shared>> -> memref<128x128xf32, #tpu.memory_space<vmem_shared>>
      %dma_start3A_81 = arith.constant 0 : i32
      %dma_start3A_82 = arith.constant 0 : i32
      %dma_start3A_83 = tpu.memref_slice %arg8[%run_scoped3A_16, %dma_start3A_81, %dma_start3A_82] : memref<2x128x128xf32, #tpu.memory_space<vmem>> -> memref<1x128x128xf32, #tpu.memory_space<vmem>>
      %dma_start3A_84 = tpu.memref_squeeze %dma_start3A_83 : memref<1x128x128xf32, #tpu.memory_space<vmem>> -> memref<128x128xf32, #tpu.memory_space<vmem>>
      tpu.enqueue_dma source(%dma_start3A_84 : memref<128x128xf32, #tpu.memory_space<vmem>>) target(%dma_start3A_80 : memref<128x128xf32, #tpu.memory_space<vmem_shared>>) target_semaphore(%run_scoped3A_73 : memref<!tpu.dma_semaphore, #tpu.memory_space<semaphore_mem>>)
      %dma_wait3A = arith.constant 0 : i32
      %dma_wait3A_85 = arith.constant 0 : i32
      %dma_wait3A_86 = tpu.memref_slice %arg8[%run_scoped3A_16, %dma_wait3A, %dma_wait3A_85] : memref<2x128x128xf32, #tpu.memory_space<vmem>> -> memref<1x128x128xf32, #tpu.memory_space<vmem>>
      %dma_wait3A_87 = tpu.memref_squeeze %dma_wait3A_86 : memref<1x128x128xf32, #tpu.memory_space<vmem>> -> memref<128x128xf32, #tpu.memory_space<vmem>>
      %dma_wait3A_88 = arith.constant 0 : i32
      %dma_wait3A_89 = tpu.memref_slice %arg9[%add3A_15, %dma_wait3A_88] : memref<10112x128xf32, #tpu.memory_space<vmem_shared>> -> memref<128x128xf32, #tpu.memory_space<vmem_shared>>
      %dma_wait3A_90 = arith.constant 0 : i32
      %dma_wait3A_91 = tpu.memref_slice %arg9[%add3A_15, %dma_wait3A_90] : memref<10112x128xf32, #tpu.memory_space<vmem_shared>> -> memref<128x128xf32, #tpu.memory_space<vmem_shared>>
      %dma_wait3A_92 = arith.constant 0 : i32
      %dma_wait3A_93 = arith.constant 0 : i32
      %dma_wait3A_94 = tpu.memref_slice %arg8[%run_scoped3A_16, %dma_wait3A_92, %dma_wait3A_93] : memref<2x128x128xf32, #tpu.memory_space<vmem>> -> memref<1x128x128xf32, #tpu.memory_space<vmem>>
      %dma_wait3A_95 = tpu.memref_squeeze %dma_wait3A_94 : memref<1x128x128xf32, #tpu.memory_space<vmem>> -> memref<128x128xf32, #tpu.memory_space<vmem>>
      tpu.wait_dma2 semaphore(%run_scoped3A_73 : memref<!tpu.dma_semaphore, #tpu.memory_space<semaphore_mem>>) src(%dma_wait3A_95 : memref<128x128xf32, #tpu.memory_space<vmem>>) dst(%dma_wait3A_91 : memref<128x128xf32, #tpu.memory_space<vmem_shared>>)
      tpu.yield
    }) : () -> ()
    %add3A_17 = arith.constant 384 : i32
    %add3A_18 = arith.addi %mul3A_2, %add3A_17 : i32
    %run_scoped3A_19 = arith.constant 0 : i32
    "tpu.region"() ({
      %run_scoped3A_73 = tpu.sem_alloc : memref<!tpu.dma_semaphore, #tpu.memory_space<semaphore_mem>>
      %dma_start3A = arith.constant 0 : i32
      %dma_start3A_74 = arith.constant 0 : i32
      %dma_start3A_75 = tpu.memref_slice %arg8[%run_scoped3A_19, %dma_start3A, %dma_start3A_74] : memref<2x128x128xf32, #tpu.memory_space<vmem>> -> memref<1x128x128xf32, #tpu.memory_space<vmem>>
      %dma_start3A_76 = tpu.memref_squeeze %dma_start3A_75 : memref<1x128x128xf32, #tpu.memory_space<vmem>> -> memref<128x128xf32, #tpu.memory_space<vmem>>
      %dma_start3A_77 = arith.constant 0 : i32
      %dma_start3A_78 = tpu.memref_slice %arg9[%add3A_18, %dma_start3A_77] : memref<10112x128xf32, #tpu.memory_space<vmem_shared>> -> memref<128x128xf32, #tpu.memory_space<vmem_shared>>
      %dma_start3A_79 = arith.constant 0 : i32
      %dma_start3A_80 = tpu.memref_slice %arg9[%add3A_18, %dma_start3A_79] : memref<10112x128xf32, #tpu.memory_space<vmem_shared>> -> memref<128x128xf32, #tpu.memory_space<vmem_shared>>
      %dma_start3A_81 = arith.constant 0 : i32
      %dma_start3A_82 = arith.constant 0 : i32
      %dma_start3A_83 = tpu.memref_slice %arg8[%run_scoped3A_19, %dma_start3A_81, %dma_start3A_82] : memref<2x128x128xf32, #tpu.memory_space<vmem>> -> memref<1x128x128xf32, #tpu.memory_space<vmem>>
      %dma_start3A_84 = tpu.memref_squeeze %dma_start3A_83 : memref<1x128x128xf32, #tpu.memory_space<vmem>> -> memref<128x128xf32, #tpu.memory_space<vmem>>
      tpu.enqueue_dma source(%dma_start3A_84 : memref<128x128xf32, #tpu.memory_space<vmem>>) target(%dma_start3A_80 : memref<128x128xf32, #tpu.memory_space<vmem_shared>>) target_semaphore(%run_scoped3A_73 : memref<!tpu.dma_semaphore, #tpu.memory_space<semaphore_mem>>)
      %dma_wait3A = arith.constant 0 : i32
      %dma_wait3A_85 = arith.constant 0 : i32
      %dma_wait3A_86 = tpu.memref_slice %arg8[%run_scoped3A_19, %dma_wait3A, %dma_wait3A_85] : memref<2x128x128xf32, #tpu.memory_space<vmem>> -> memref<1x128x128xf32, #tpu.memory_space<vmem>>
      %dma_wait3A_87 = tpu.memref_squeeze %dma_wait3A_86 : memref<1x128x128xf32, #tpu.memory_space<vmem>> -> memref<128x128xf32, #tpu.memory_space<vmem>>
      %dma_wait3A_88 = arith.constant 0 : i32
      %dma_wait3A_89 = tpu.memref_slice %arg9[%add3A_18, %dma_wait3A_88] : memref<10112x128xf32, #tpu.memory_space<vmem_shared>> -> memref<128x128xf32, #tpu.memory_space<vmem_shared>>
      %dma_wait3A_90 = arith.constant 0 : i32
      %dma_wait3A_91 = tpu.memref_slice %arg9[%add3A_18, %dma_wait3A_90] : memref<10112x128xf32, #tpu.memory_space<vmem_shared>> -> memref<128x128xf32, #tpu.memory_space<vmem_shared>>
      %dma_wait3A_92 = arith.constant 0 : i32
      %dma_wait3A_93 = arith.constant 0 : i32
      %dma_wait3A_94 = tpu.memref_slice %arg8[%run_scoped3A_19, %dma_wait3A_92, %dma_wait3A_93] : memref<2x128x128xf32, #tpu.memory_space<vmem>> -> memref<1x128x128xf32, #tpu.memory_space<vmem>>
      %dma_wait3A_95 = tpu.memref_squeeze %dma_wait3A_94 : memref<1x128x128xf32, #tpu.memory_space<vmem>> -> memref<128x128xf32, #tpu.memory_space<vmem>>
      tpu.wait_dma2 semaphore(%run_scoped3A_73 : memref<!tpu.dma_semaphore, #tpu.memory_space<semaphore_mem>>) src(%dma_wait3A_95 : memref<128x128xf32, #tpu.memory_space<vmem>>) dst(%dma_wait3A_91 : memref<128x128xf32, #tpu.memory_space<vmem_shared>>)
      tpu.yield
    }) : () -> ()
    %add3A_20 = arith.constant 512 : i32
    %add3A_21 = arith.addi %mul3A_2, %add3A_20 : i32
    %run_scoped3A_22 = arith.constant 0 : i32
    "tpu.region"() ({
      %run_scoped3A_73 = tpu.sem_alloc : memref<!tpu.dma_semaphore, #tpu.memory_space<semaphore_mem>>
      %dma_start3A = arith.constant 0 : i32
      %dma_start3A_74 = arith.constant 0 : i32
      %dma_start3A_75 = tpu.memref_slice %arg8[%run_scoped3A_22, %dma_start3A, %dma_start3A_74] : memref<2x128x128xf32, #tpu.memory_space<vmem>> -> memref<1x120x128xf32, #tpu.memory_space<vmem>>
      %dma_start3A_76 = tpu.memref_squeeze %dma_start3A_75 : memref<1x120x128xf32, #tpu.memory_space<vmem>> -> memref<120x128xf32, #tpu.memory_space<vmem>>
      %dma_start3A_77 = arith.constant 0 : i32
      %dma_start3A_78 = tpu.memref_slice %arg9[%add3A_21, %dma_start3A_77] : memref<10112x128xf32, #tpu.memory_space<vmem_shared>> -> memref<120x128xf32, #tpu.memory_space<vmem_shared>>
      %dma_start3A_79 = arith.constant 0 : i32
      %dma_start3A_80 = tpu.memref_slice %arg9[%add3A_21, %dma_start3A_79] : memref<10112x128xf32, #tpu.memory_space<vmem_shared>> -> memref<120x128xf32, #tpu.memory_space<vmem_shared>>
      %dma_start3A_81 = arith.constant 0 : i32
      %dma_start3A_82 = arith.constant 0 : i32
      %dma_start3A_83 = tpu.memref_slice %arg8[%run_scoped3A_22, %dma_start3A_81, %dma_start3A_82] : memref<2x128x128xf32, #tpu.memory_space<vmem>> -> memref<1x120x128xf32, #tpu.memory_space<vmem>>
      %dma_start3A_84 = tpu.memref_squeeze %dma_start3A_83 : memref<1x120x128xf32, #tpu.memory_space<vmem>> -> memref<120x128xf32, #tpu.memory_space<vmem>>
      tpu.enqueue_dma source(%dma_start3A_84 : memref<120x128xf32, #tpu.memory_space<vmem>>) target(%dma_start3A_80 : memref<120x128xf32, #tpu.memory_space<vmem_shared>>) target_semaphore(%run_scoped3A_73 : memref<!tpu.dma_semaphore, #tpu.memory_space<semaphore_mem>>)
      %dma_wait3A = arith.constant 0 : i32
      %dma_wait3A_85 = arith.constant 0 : i32
      %dma_wait3A_86 = tpu.memref_slice %arg8[%run_scoped3A_22, %dma_wait3A, %dma_wait3A_85] : memref<2x128x128xf32, #tpu.memory_space<vmem>> -> memref<1x120x128xf32, #tpu.memory_space<vmem>>
      %dma_wait3A_87 = tpu.memref_squeeze %dma_wait3A_86 : memref<1x120x128xf32, #tpu.memory_space<vmem>> -> memref<120x128xf32, #tpu.memory_space<vmem>>
      %dma_wait3A_88 = arith.constant 0 : i32
      %dma_wait3A_89 = tpu.memref_slice %arg9[%add3A_21, %dma_wait3A_88] : memref<10112x128xf32, #tpu.memory_space<vmem_shared>> -> memref<120x128xf32, #tpu.memory_space<vmem_shared>>
      %dma_wait3A_90 = arith.constant 0 : i32
      %dma_wait3A_91 = tpu.memref_slice %arg9[%add3A_21, %dma_wait3A_90] : memref<10112x128xf32, #tpu.memory_space<vmem_shared>> -> memref<120x128xf32, #tpu.memory_space<vmem_shared>>
      %dma_wait3A_92 = arith.constant 0 : i32
      %dma_wait3A_93 = arith.constant 0 : i32
      %dma_wait3A_94 = tpu.memref_slice %arg8[%run_scoped3A_22, %dma_wait3A_92, %dma_wait3A_93] : memref<2x128x128xf32, #tpu.memory_space<vmem>> -> memref<1x120x128xf32, #tpu.memory_space<vmem>>
      %dma_wait3A_95 = tpu.memref_squeeze %dma_wait3A_94 : memref<1x120x128xf32, #tpu.memory_space<vmem>> -> memref<120x128xf32, #tpu.memory_space<vmem>>
      tpu.wait_dma2 semaphore(%run_scoped3A_73 : memref<!tpu.dma_semaphore, #tpu.memory_space<semaphore_mem>>) src(%dma_wait3A_95 : memref<120x128xf32, #tpu.memory_space<vmem>>) dst(%dma_wait3A_91 : memref<120x128xf32, #tpu.memory_space<vmem_shared>>)
      tpu.yield
    }) : () -> ()
    %barrier3A = arith.constant 0 : index
    tpu.barrier barrier_id(%barrier3A)
    %mul3A_23 = arith.constant 80 : i32
    %mul3A_24 = arith.muli %add3A, %mul3A_23 : i32
    %run_scoped3A_25 = arith.constant 0 : i32
    "tpu.region"() ({
      %run_scoped3A_73 = tpu.sem_alloc : memref<!tpu.dma_semaphore, #tpu.memory_space<semaphore_mem>>
      %dma_start3A = arith.constant 0 : i32
      %dma_start3A_74 = tpu.memref_slice %arg3[%run_scoped3A_25, %mul3A_24, %dma_start3A] : memref<2x2560x128xi32, #tpu.memory_space<hbm>> -> memref<1x80x128xi32, #tpu.memory_space<hbm>>
      %dma_start3A_75 = tpu.memref_squeeze %dma_start3A_74 : memref<1x80x128xi32, #tpu.memory_space<hbm>> -> memref<80x128xi32, #tpu.memory_space<hbm>>
      %dma_start3A_76 = arith.constant 0 : i32
      %dma_start3A_77 = tpu.memref_slice %arg3[%run_scoped3A_25, %mul3A_24, %dma_start3A_76] : memref<2x2560x128xi32, #tpu.memory_space<hbm>> -> memref<1x80x128xi32, #tpu.memory_space<hbm>>
      %dma_start3A_78 = tpu.memref_squeeze %dma_start3A_77 : memref<1x80x128xi32, #tpu.memory_space<hbm>> -> memref<80x128xi32, #tpu.memory_space<hbm>>
      tpu.enqueue_dma source(%dma_start3A_78 : memref<80x128xi32, #tpu.memory_space<hbm>>) target(%arg6 : memref<80x128xi32, #tpu.memory_space<vmem>>) target_semaphore(%run_scoped3A_73 : memref<!tpu.dma_semaphore, #tpu.memory_space<semaphore_mem>>)
      %dma_wait3A = arith.constant 0 : i32
      %dma_wait3A_79 = tpu.memref_slice %arg3[%run_scoped3A_25, %mul3A_24, %dma_wait3A] : memref<2x2560x128xi32, #tpu.memory_space<hbm>> -> memref<1x80x128xi32, #tpu.memory_space<hbm>>
      %dma_wait3A_80 = tpu.memref_squeeze %dma_wait3A_79 : memref<1x80x128xi32, #tpu.memory_space<hbm>> -> memref<80x128xi32, #tpu.memory_space<hbm>>
      %dma_wait3A_81 = arith.constant 0 : i32
      %dma_wait3A_82 = tpu.memref_slice %arg3[%run_scoped3A_25, %mul3A_24, %dma_wait3A_81] : memref<2x2560x128xi32, #tpu.memory_space<hbm>> -> memref<1x80x128xi32, #tpu.memory_space<hbm>>
      %dma_wait3A_83 = tpu.memref_squeeze %dma_wait3A_82 : memref<1x80x128xi32, #tpu.memory_space<hbm>> -> memref<80x128xi32, #tpu.memory_space<hbm>>
      tpu.wait_dma2 semaphore(%run_scoped3A_73 : memref<!tpu.dma_semaphore, #tpu.memory_space<semaphore_mem>>) src(%dma_wait3A_83 : memref<80x128xi32, #tpu.memory_space<hbm>>) dst(%arg6 : memref<80x128xi32, #tpu.memory_space<vmem>>)
      tpu.yield
    }) : () -> ()
    %mul3A_26 = arith.constant 80 : i32
    %mul3A_27 = arith.muli %add3A, %mul3A_26 : i32
    %sub3A = arith.constant 2500 : i32
    %sub3A_28 = arith.subi %sub3A, %mul3A_27 : i32
    %jit3A = arith.constant 0 : i32
    %jit3A_29 = arith.constant 80 : i32
    %max3A = arith.maxsi %jit3A, %sub3A_28 : i32
    %min3A = arith.minsi %jit3A_29, %max3A : i32
    %gt3A = arith.constant 0 : i32
    %gt3A_30 = arith.cmpi sgt, %min3A, %gt3A : i32
    %convert_element_type3A = arith.extui %gt3A_30 : i1 to i32
    %cond3A = arith.constant 0 : i32
    %cond3A_31 = arith.cmpi ne, %convert_element_type3A, %cond3A : i32
    scf.if %cond3A_31 {
      %dma_start3A = arith.constant 0 : i32
      %dma_start3A_73 = arith.constant 0 : i32
      %dma_start3A_74 = arith.constant 0 : i32
      %dma_start3A_75 = arith.constant 0 : i32
      %dma_start3A_76 = tpu.memref_slice %arg8[%dma_start3A_73, %dma_start3A_74, %dma_start3A_75] : memref<2x128x128xf32, #tpu.memory_space<vmem>> -> memref<1x128x128xf32, #tpu.memory_space<vmem>>
      %dma_start3A_77 = tpu.memref_squeeze %dma_start3A_76 : memref<1x128x128xf32, #tpu.memory_space<vmem>> -> memref<128x128xf32, #tpu.memory_space<vmem>>
      %dma_start3A_78 = arith.constant 0 : i32
      %dma_start3A_79 = tpu.memref_slice %arg6[%dma_start3A, %dma_start3A_78] : memref<80x128xi32, #tpu.memory_space<vmem>> -> memref<1x128xi32, #tpu.memory_space<vmem>>
      %dma_start3A_80 = tpu.memref_squeeze %dma_start3A_79 : memref<1x128xi32, #tpu.memory_space<vmem>> -> memref<128xi32, #tpu.memory_space<vmem>>
      %dma_start3A_81 = arith.constant 0 : i32
      %dma_start3A_82 = arith.constant 0 : i32
      %dma_start3A_83 = tpu.memref_slice %arg2[%dma_start3A_81, %dma_start3A_82] : memref<10000x128xf32, #tpu.memory_space<hbm>> -> memref<10000x128xf32, #tpu.memory_space<hbm>>
      tpu.enqueue_indirect_dma source(%dma_start3A_83 : memref<10000x128xf32, #tpu.memory_space<hbm>>) target(%dma_start3A_77 : memref<128x128xf32, #tpu.memory_space<vmem>>) offsets(%dma_start3A_80 : memref<128xi32, #tpu.memory_space<vmem>>) semaphore(%arg10 : memref<!tpu.dma_semaphore, #tpu.memory_space<semaphore_mem>>)
    } else {
    }
    %add3A_32 = arith.constant 7 : i32
    %add3A_33 = arith.addi %min3A, %add3A_32 : i32
    %jit3A_34 = arith.constant 8 : i32
    %div3A = arith.divsi %add3A_33, %jit3A_34 : i32
    %sign3A = arith.constant 0 : i32
    %sign3A_35 = arith.cmpi sgt, %add3A_33, %sign3A : i32
    %sign3A_36 = arith.extui %sign3A_35 : i1 to i32
    %sign3A_37 = arith.constant 0 : i32
    %sign3A_38 = arith.cmpi slt, %add3A_33, %sign3A_37 : i32
    %sign3A_39 = arith.extui %sign3A_38 : i1 to i32
    %sign3A_40 = arith.subi %sign3A_36, %sign3A_39 : i32
    %sign3A_41 = arith.constant 0 : i32
    %sign3A_42 = arith.cmpi sgt, %jit3A_34, %sign3A_41 : i32
    %sign3A_43 = arith.extui %sign3A_42 : i1 to i32
    %sign3A_44 = arith.constant 0 : i32
    %sign3A_45 = arith.cmpi slt, %jit3A_34, %sign3A_44 : i32
    %sign3A_46 = arith.extui %sign3A_45 : i1 to i32
    %sign3A_47 = arith.subi %sign3A_43, %sign3A_46 : i32
    %ne3A = arith.cmpi ne, %sign3A_40, %sign3A_47 : i32
    %rem3A = arith.remsi %add3A_33, %jit3A_34 : i32
    %ne3A_48 = arith.constant 0 : i32
    %ne3A_49 = arith.cmpi ne, %rem3A, %ne3A_48 : i32
    %and3A = arith.andi %ne3A, %ne3A_49 : i1
    %sub3A_50 = arith.constant 1 : i32
    %sub3A_51 = arith.subi %div3A, %sub3A_50 : i32
    %select_n3A = arith.select %and3A, %sub3A_51, %div3A : i32
    %while3A = arith.constant 0 : i32
    %while3A_52 = arith.constant 0 : i32
    %while3A_53 = arith.subi %select_n3A, %while3A : i32
    %while3A_54 = arith.addi %while3A, %while3A_53 : i32
    %while3A_55 = arith.constant 1 : i32
    %while3A_56 = arith.divsi %while3A_53, %while3A_55 : i32
    %while3A_57 = arith.muli %while3A_56, %while3A_55 : i32
    %while3A_58 = arith.addi %while3A, %while3A_57 : i32
    %while3A_59 = arith.constant 1 : i32
    %while3A_60 = scf.for %while3A_73 = %while3A to %while3A_58 step %while3A_59 iter_args(%while3A_74 = %while3A_52) -> (i32)  : i32 {
      %mul3A_75 = arith.constant 8 : i32
      %mul3A_76 = arith.muli %while3A_73, %mul3A_75 : i32
      %sub3A_77 = arith.subi %min3A, %mul3A_76 : i32
      %min3A_78 = arith.constant 8 : i32
      %min3A_79 = arith.minsi %min3A_78, %sub3A_77 : i32
      %mul3A_80 = arith.constant 80 : i32
      %mul3A_81 = arith.muli %add3A, %mul3A_80 : i32
      %mul3A_82 = arith.constant 8 : i32
      %mul3A_83 = arith.muli %while3A_73, %mul3A_82 : i32
      %add3A_84 = arith.addi %mul3A_81, %mul3A_83 : i32
      %run_scoped3A_85 = arith.constant 1 : i32
      "tpu.region"() ({
        %run_scoped3A_99 = tpu.sem_alloc : memref<!tpu.dma_semaphore, #tpu.memory_space<semaphore_mem>>
        %dma_start3A = arith.constant 0 : i32
        %dma_start3A_100 = tpu.memref_slice %arg3[%run_scoped3A_85, %add3A_84, %dma_start3A] : memref<2x2560x128xi32, #tpu.memory_space<hbm>> -> memref<1x8x128xi32, #tpu.memory_space<hbm>>
        %dma_start3A_101 = tpu.memref_squeeze %dma_start3A_100 : memref<1x8x128xi32, #tpu.memory_space<hbm>> -> memref<8x128xi32, #tpu.memory_space<hbm>>
        %dma_start3A_102 = arith.constant 0 : i32
        %dma_start3A_103 = tpu.memref_slice %arg3[%run_scoped3A_85, %add3A_84, %dma_start3A_102] : memref<2x2560x128xi32, #tpu.memory_space<hbm>> -> memref<1x8x128xi32, #tpu.memory_space<hbm>>
        %dma_start3A_104 = tpu.memref_squeeze %dma_start3A_103 : memref<1x8x128xi32, #tpu.memory_space<hbm>> -> memref<8x128xi32, #tpu.memory_space<hbm>>
        tpu.enqueue_dma source(%dma_start3A_104 : memref<8x128xi32, #tpu.memory_space<hbm>>) target(%arg7 : memref<8x128xi32, #tpu.memory_space<vmem>>) target_semaphore(%run_scoped3A_99 : memref<!tpu.dma_semaphore, #tpu.memory_space<semaphore_mem>>)
        %dma_wait3A = arith.constant 0 : i32
        %dma_wait3A_105 = tpu.memref_slice %arg3[%run_scoped3A_85, %add3A_84, %dma_wait3A] : memref<2x2560x128xi32, #tpu.memory_space<hbm>> -> memref<1x8x128xi32, #tpu.memory_space<hbm>>
        %dma_wait3A_106 = tpu.memref_squeeze %dma_wait3A_105 : memref<1x8x128xi32, #tpu.memory_space<hbm>> -> memref<8x128xi32, #tpu.memory_space<hbm>>
        %dma_wait3A_107 = arith.constant 0 : i32
        %dma_wait3A_108 = tpu.memref_slice %arg3[%run_scoped3A_85, %add3A_84, %dma_wait3A_107] : memref<2x2560x128xi32, #tpu.memory_space<hbm>> -> memref<1x8x128xi32, #tpu.memory_space<hbm>>
        %dma_wait3A_109 = tpu.memref_squeeze %dma_wait3A_108 : memref<1x8x128xi32, #tpu.memory_space<hbm>> -> memref<8x128xi32, #tpu.memory_space<hbm>>
        tpu.wait_dma2 semaphore(%run_scoped3A_99 : memref<!tpu.dma_semaphore, #tpu.memory_space<semaphore_mem>>) src(%dma_wait3A_109 : memref<8x128xi32, #tpu.memory_space<hbm>>) dst(%arg7 : memref<8x128xi32, #tpu.memory_space<vmem>>)
        tpu.yield
      }) : () -> ()
      %while3A_86 = arith.constant 0 : i32
      %while3A_87 = arith.constant 0 : i32
      %while3A_88 = arith.subi %min3A_79, %while3A_86 : i32
      %while3A_89 = arith.addi %while3A_86, %while3A_88 : i32
      %while3A_90 = arith.constant 1 : i32
      %while3A_91 = arith.divsi %while3A_88, %while3A_90 : i32
      %while3A_92 = arith.muli %while3A_91, %while3A_90 : i32
      %while3A_93 = arith.addi %while3A_86, %while3A_92 : i32
      %while3A_94 = arith.constant 1 : i32
      %while3A_95 = scf.for %while3A_99 = %while3A_86 to %while3A_93 step %while3A_94 iter_args(%while3A_100 = %while3A_87) -> (i32)  : i32 {
        %mul3A_101 = arith.constant 8 : i32
        %mul3A_102 = arith.muli %while3A_73, %mul3A_101 : i32
        %add3A_103 = arith.addi %mul3A_102, %while3A_99 : i32
        %rem3A_104 = arith.constant 2 : i32
        %rem3A_105 = arith.remsi %add3A_103, %rem3A_104 : i32
        %dma_wait3A = arith.constant 0 : i32
        %dma_wait3A_106 = arith.constant 0 : i32
        %dma_wait3A_107 = tpu.memref_slice %arg8[%rem3A_105, %dma_wait3A, %dma_wait3A_106] : memref<2x128x128xf32, #tpu.memory_space<vmem>> -> memref<1x128x128xf32, #tpu.memory_space<vmem>>
        %dma_wait3A_108 = tpu.memref_squeeze %dma_wait3A_107 : memref<1x128x128xf32, #tpu.memory_space<vmem>> -> memref<128x128xf32, #tpu.memory_space<vmem>>
        %dma_wait3A_109 = arith.constant 0 : i32
        %dma_wait3A_110 = tpu.memref_slice %arg6[%add3A_103, %dma_wait3A_109] : memref<80x128xi32, #tpu.memory_space<vmem>> -> memref<1x128xi32, #tpu.memory_space<vmem>>
        %dma_wait3A_111 = tpu.memref_squeeze %dma_wait3A_110 : memref<1x128xi32, #tpu.memory_space<vmem>> -> memref<128xi32, #tpu.memory_space<vmem>>
        %dma_wait3A_112 = arith.constant 0 : i32
        %dma_wait3A_113 = arith.constant 0 : i32
        %dma_wait3A_114 = tpu.memref_slice %arg2[%dma_wait3A_112, %dma_wait3A_113] : memref<10000x128xf32, #tpu.memory_space<hbm>> -> memref<10000x128xf32, #tpu.memory_space<hbm>>
        tpu.wait_indirect_dma semaphore(%arg10 : memref<!tpu.dma_semaphore, #tpu.memory_space<semaphore_mem>>) src(%dma_wait3A_114 : memref<10000x128xf32, #tpu.memory_space<hbm>>) dst(%dma_wait3A_108 : memref<128x128xf32, #tpu.memory_space<vmem>>)
        %add3A_115 = arith.constant 1 : i32
        %add3A_116 = arith.addi %add3A_103, %add3A_115 : i32
        %lt3A = arith.cmpi slt, %add3A_116, %min3A : i32
        %convert_element_type3A_117 = arith.extui %lt3A : i1 to i32
        %cond3A_118 = arith.constant 0 : i32
        %cond3A_119 = arith.cmpi ne, %convert_element_type3A_117, %cond3A_118 : i32
        scf.if %cond3A_119 {
          %add3A_121 = arith.constant 1 : i32
          %add3A_122 = arith.addi %add3A_103, %add3A_121 : i32
          %sub3A_123 = arith.constant 1 : i32
          %sub3A_124 = arith.subi %sub3A_123, %rem3A_105 : i32
          %dma_start3A = arith.constant 0 : i32
          %dma_start3A_125 = arith.constant 0 : i32
          %dma_start3A_126 = tpu.memref_slice %arg8[%sub3A_124, %dma_start3A, %dma_start3A_125] : memref<2x128x128xf32, #tpu.memory_space<vmem>> -> memref<1x128x128xf32, #tpu.memory_space<vmem>>
          %dma_start3A_127 = tpu.memref_squeeze %dma_start3A_126 : memref<1x128x128xf32, #tpu.memory_space<vmem>> -> memref<128x128xf32, #tpu.memory_space<vmem>>
          %dma_start3A_128 = arith.constant 0 : i32
          %dma_start3A_129 = tpu.memref_slice %arg6[%add3A_122, %dma_start3A_128] : memref<80x128xi32, #tpu.memory_space<vmem>> -> memref<1x128xi32, #tpu.memory_space<vmem>>
          %dma_start3A_130 = tpu.memref_squeeze %dma_start3A_129 : memref<1x128xi32, #tpu.memory_space<vmem>> -> memref<128xi32, #tpu.memory_space<vmem>>
          %dma_start3A_131 = arith.constant 0 : i32
          %dma_start3A_132 = arith.constant 0 : i32
          %dma_start3A_133 = tpu.memref_slice %arg2[%dma_start3A_131, %dma_start3A_132] : memref<10000x128xf32, #tpu.memory_space<hbm>> -> memref<10000x128xf32, #tpu.memory_space<hbm>>
          tpu.enqueue_indirect_dma source(%dma_start3A_133 : memref<10000x128xf32, #tpu.memory_space<hbm>>) target(%dma_start3A_127 : memref<128x128xf32, #tpu.memory_space<vmem>>) offsets(%dma_start3A_130 : memref<128xi32, #tpu.memory_space<vmem>>) semaphore(%arg10 : memref<!tpu.dma_semaphore, #tpu.memory_space<semaphore_mem>>)
        } else {
        }
        "tpu.region"() ({
          %run_scoped3A_121 = tpu.sem_alloc : memref<!tpu.dma_semaphore, #tpu.memory_space<semaphore_mem>>
          %dma_start3A = arith.constant 0 : i32
          %dma_start3A_122 = arith.constant 0 : i32
          %dma_start3A_123 = tpu.memref_slice %arg8[%rem3A_105, %dma_start3A, %dma_start3A_122] : memref<2x128x128xf32, #tpu.memory_space<vmem>> -> memref<1x128x128xf32, #tpu.memory_space<vmem>>
          %dma_start3A_124 = tpu.memref_squeeze %dma_start3A_123 : memref<1x128x128xf32, #tpu.memory_space<vmem>> -> memref<128x128xf32, #tpu.memory_space<vmem>>
          %dma_start3A_125 = arith.constant 0 : i32
          %dma_start3A_126 = tpu.memref_slice %arg7[%while3A_99, %dma_start3A_125] : memref<8x128xi32, #tpu.memory_space<vmem>> -> memref<1x128xi32, #tpu.memory_space<vmem>>
          %dma_start3A_127 = tpu.memref_squeeze %dma_start3A_126 : memref<1x128xi32, #tpu.memory_space<vmem>> -> memref<128xi32, #tpu.memory_space<vmem>>
          %dma_start3A_128 = arith.constant 0 : i32
          %dma_start3A_129 = arith.constant 0 : i32
          %dma_start3A_130 = tpu.memref_slice %arg9[%dma_start3A_128, %dma_start3A_129] : memref<10112x128xf32, #tpu.memory_space<vmem_shared>> -> memref<10112x128xf32, #tpu.memory_space<vmem_shared>>
          tpu.enqueue_indirect_dma source(%dma_start3A_124 : memref<128x128xf32, #tpu.memory_space<vmem>>) target(%dma_start3A_130 : memref<10112x128xf32, #tpu.memory_space<vmem_shared>>) offsets(%dma_start3A_127 : memref<128xi32, #tpu.memory_space<vmem>>) semaphore(%run_scoped3A_121 : memref<!tpu.dma_semaphore, #tpu.memory_space<semaphore_mem>>) {add = true}
          %dma_wait3A_131 = arith.constant 0 : i32
          %dma_wait3A_132 = arith.constant 0 : i32
          %dma_wait3A_133 = tpu.memref_slice %arg8[%rem3A_105, %dma_wait3A_131, %dma_wait3A_132] : memref<2x128x128xf32, #tpu.memory_space<vmem>> -> memref<1x128x128xf32, #tpu.memory_space<vmem>>
          %dma_wait3A_134 = tpu.memref_squeeze %dma_wait3A_133 : memref<1x128x128xf32, #tpu.memory_space<vmem>> -> memref<128x128xf32, #tpu.memory_space<vmem>>
          %dma_wait3A_135 = arith.constant 0 : i32
          %dma_wait3A_136 = tpu.memref_slice %arg7[%while3A_99, %dma_wait3A_135] : memref<8x128xi32, #tpu.memory_space<vmem>> -> memref<1x128xi32, #tpu.memory_space<vmem>>
          %dma_wait3A_137 = tpu.memref_squeeze %dma_wait3A_136 : memref<1x128xi32, #tpu.memory_space<vmem>> -> memref<128xi32, #tpu.memory_space<vmem>>
          %dma_wait3A_138 = arith.constant 0 : i32
          %dma_wait3A_139 = arith.constant 0 : i32
          %dma_wait3A_140 = tpu.memref_slice %arg9[%dma_wait3A_138, %dma_wait3A_139] : memref<10112x128xf32, #tpu.memory_space<vmem_shared>> -> memref<10112x128xf32, #tpu.memory_space<vmem_shared>>
          tpu.wait_indirect_dma semaphore(%run_scoped3A_121 : memref<!tpu.dma_semaphore, #tpu.memory_space<semaphore_mem>>) src(%dma_wait3A_134 : memref<128x128xf32, #tpu.memory_space<vmem>>) dst(%dma_wait3A_140 : memref<10112x128xf32, #tpu.memory_space<vmem_shared>>)
          tpu.yield
        }) : () -> ()
        %while3A_120 = arith.constant 0 : i32
        scf.yield %while3A_120 : i32
      }
      %while3A_96 = arith.constant 1 : i32
      %while3A_97 = scf.for %while3A_99 = %while3A_93 to %while3A_89 step %while3A_96 iter_args(%while3A_100 = %while3A_95) -> (i32)  : i32 {
        %mul3A_101 = arith.constant 8 : i32
        %mul3A_102 = arith.muli %while3A_73, %mul3A_101 : i32
        %add3A_103 = arith.addi %mul3A_102, %while3A_99 : i32
        %rem3A_104 = arith.constant 2 : i32
        %rem3A_105 = arith.remsi %add3A_103, %rem3A_104 : i32
        %dma_wait3A = arith.constant 0 : i32
        %dma_wait3A_106 = arith.constant 0 : i32
        %dma_wait3A_107 = tpu.memref_slice %arg8[%rem3A_105, %dma_wait3A, %dma_wait3A_106] : memref<2x128x128xf32, #tpu.memory_space<vmem>> -> memref<1x128x128xf32, #tpu.memory_space<vmem>>
        %dma_wait3A_108 = tpu.memref_squeeze %dma_wait3A_107 : memref<1x128x128xf32, #tpu.memory_space<vmem>> -> memref<128x128xf32, #tpu.memory_space<vmem>>
        %dma_wait3A_109 = arith.constant 0 : i32
        %dma_wait3A_110 = tpu.memref_slice %arg6[%add3A_103, %dma_wait3A_109] : memref<80x128xi32, #tpu.memory_space<vmem>> -> memref<1x128xi32, #tpu.memory_space<vmem>>
        %dma_wait3A_111 = tpu.memref_squeeze %dma_wait3A_110 : memref<1x128xi32, #tpu.memory_space<vmem>> -> memref<128xi32, #tpu.memory_space<vmem>>
        %dma_wait3A_112 = arith.constant 0 : i32
        %dma_wait3A_113 = arith.constant 0 : i32
        %dma_wait3A_114 = tpu.memref_slice %arg2[%dma_wait3A_112, %dma_wait3A_113] : memref<10000x128xf32, #tpu.memory_space<hbm>> -> memref<10000x128xf32, #tpu.memory_space<hbm>>
        tpu.wait_indirect_dma semaphore(%arg10 : memref<!tpu.dma_semaphore, #tpu.memory_space<semaphore_mem>>) src(%dma_wait3A_114 : memref<10000x128xf32, #tpu.memory_space<hbm>>) dst(%dma_wait3A_108 : memref<128x128xf32, #tpu.memory_space<vmem>>)
        %add3A_115 = arith.constant 1 : i32
        %add3A_116 = arith.addi %add3A_103, %add3A_115 : i32
        %lt3A = arith.cmpi slt, %add3A_116, %min3A : i32
        %convert_element_type3A_117 = arith.extui %lt3A : i1 to i32
        %cond3A_118 = arith.constant 0 : i32
        %cond3A_119 = arith.cmpi ne, %convert_element_type3A_117, %cond3A_118 : i32
        scf.if %cond3A_119 {
          %add3A_121 = arith.constant 1 : i32
          %add3A_122 = arith.addi %add3A_103, %add3A_121 : i32
          %sub3A_123 = arith.constant 1 : i32
          %sub3A_124 = arith.subi %sub3A_123, %rem3A_105 : i32
          %dma_start3A = arith.constant 0 : i32
          %dma_start3A_125 = arith.constant 0 : i32
          %dma_start3A_126 = tpu.memref_slice %arg8[%sub3A_124, %dma_start3A, %dma_start3A_125] : memref<2x128x128xf32, #tpu.memory_space<vmem>> -> memref<1x128x128xf32, #tpu.memory_space<vmem>>
          %dma_start3A_127 = tpu.memref_squeeze %dma_start3A_126 : memref<1x128x128xf32, #tpu.memory_space<vmem>> -> memref<128x128xf32, #tpu.memory_space<vmem>>
          %dma_start3A_128 = arith.constant 0 : i32
          %dma_start3A_129 = tpu.memref_slice %arg6[%add3A_122, %dma_start3A_128] : memref<80x128xi32, #tpu.memory_space<vmem>> -> memref<1x128xi32, #tpu.memory_space<vmem>>
          %dma_start3A_130 = tpu.memref_squeeze %dma_start3A_129 : memref<1x128xi32, #tpu.memory_space<vmem>> -> memref<128xi32, #tpu.memory_space<vmem>>
          %dma_start3A_131 = arith.constant 0 : i32
          %dma_start3A_132 = arith.constant 0 : i32
          %dma_start3A_133 = tpu.memref_slice %arg2[%dma_start3A_131, %dma_start3A_132] : memref<10000x128xf32, #tpu.memory_space<hbm>> -> memref<10000x128xf32, #tpu.memory_space<hbm>>
          tpu.enqueue_indirect_dma source(%dma_start3A_133 : memref<10000x128xf32, #tpu.memory_space<hbm>>) target(%dma_start3A_127 : memref<128x128xf32, #tpu.memory_space<vmem>>) offsets(%dma_start3A_130 : memref<128xi32, #tpu.memory_space<vmem>>) semaphore(%arg10 : memref<!tpu.dma_semaphore, #tpu.memory_space<semaphore_mem>>)
        } else {
        }
        "tpu.region"() ({
          %run_scoped3A_121 = tpu.sem_alloc : memref<!tpu.dma_semaphore, #tpu.memory_space<semaphore_mem>>
          %dma_start3A = arith.constant 0 : i32
          %dma_start3A_122 = arith.constant 0 : i32
          %dma_start3A_123 = tpu.memref_slice %arg8[%rem3A_105, %dma_start3A, %dma_start3A_122] : memref<2x128x128xf32, #tpu.memory_space<vmem>> -> memref<1x128x128xf32, #tpu.memory_space<vmem>>
          %dma_start3A_124 = tpu.memref_squeeze %dma_start3A_123 : memref<1x128x128xf32, #tpu.memory_space<vmem>> -> memref<128x128xf32, #tpu.memory_space<vmem>>
          %dma_start3A_125 = arith.constant 0 : i32
          %dma_start3A_126 = tpu.memref_slice %arg7[%while3A_99, %dma_start3A_125] : memref<8x128xi32, #tpu.memory_space<vmem>> -> memref<1x128xi32, #tpu.memory_space<vmem>>
          %dma_start3A_127 = tpu.memref_squeeze %dma_start3A_126 : memref<1x128xi32, #tpu.memory_space<vmem>> -> memref<128xi32, #tpu.memory_space<vmem>>
          %dma_start3A_128 = arith.constant 0 : i32
          %dma_start3A_129 = arith.constant 0 : i32
          %dma_start3A_130 = tpu.memref_slice %arg9[%dma_start3A_128, %dma_start3A_129] : memref<10112x128xf32, #tpu.memory_space<vmem_shared>> -> memref<10112x128xf32, #tpu.memory_space<vmem_shared>>
          tpu.enqueue_indirect_dma source(%dma_start3A_124 : memref<128x128xf32, #tpu.memory_space<vmem>>) target(%dma_start3A_130 : memref<10112x128xf32, #tpu.memory_space<vmem_shared>>) offsets(%dma_start3A_127 : memref<128xi32, #tpu.memory_space<vmem>>) semaphore(%run_scoped3A_121 : memref<!tpu.dma_semaphore, #tpu.memory_space<semaphore_mem>>) {add = true}
          %dma_wait3A_131 = arith.constant 0 : i32
          %dma_wait3A_132 = arith.constant 0 : i32
          %dma_wait3A_133 = tpu.memref_slice %arg8[%rem3A_105, %dma_wait3A_131, %dma_wait3A_132] : memref<2x128x128xf32, #tpu.memory_space<vmem>> -> memref<1x128x128xf32, #tpu.memory_space<vmem>>
          %dma_wait3A_134 = tpu.memref_squeeze %dma_wait3A_133 : memref<1x128x128xf32, #tpu.memory_space<vmem>> -> memref<128x128xf32, #tpu.memory_space<vmem>>
          %dma_wait3A_135 = arith.constant 0 : i32
          %dma_wait3A_136 = tpu.memref_slice %arg7[%while3A_99, %dma_wait3A_135] : memref<8x128xi32, #tpu.memory_space<vmem>> -> memref<1x128xi32, #tpu.memory_space<vmem>>
          %dma_wait3A_137 = tpu.memref_squeeze %dma_wait3A_136 : memref<1x128xi32, #tpu.memory_space<vmem>> -> memref<128xi32, #tpu.memory_space<vmem>>
          %dma_wait3A_138 = arith.constant 0 : i32
          %dma_wait3A_139 = arith.constant 0 : i32
          %dma_wait3A_140 = tpu.memref_slice %arg9[%dma_wait3A_138, %dma_wait3A_139] : memref<10112x128xf32, #tpu.memory_space<vmem_shared>> -> memref<10112x128xf32, #tpu.memory_space<vmem_shared>>
          tpu.wait_indirect_dma semaphore(%run_scoped3A_121 : memref<!tpu.dma_semaphore, #tpu.memory_space<semaphore_mem>>) src(%dma_wait3A_134 : memref<128x128xf32, #tpu.memory_space<vmem>>) dst(%dma_wait3A_140 : memref<10112x128xf32, #tpu.memory_space<vmem_shared>>)
          tpu.yield
        }) : () -> ()
        %while3A_120 = arith.constant 0 : i32
        scf.yield %while3A_120 : i32
      }
      %while3A_98 = arith.constant 0 : i32
      scf.yield %while3A_98 : i32
    }
    %while3A_61 = arith.constant 1 : i32
    %while3A_62 = scf.for %while3A_73 = %while3A_58 to %while3A_54 step %while3A_61 iter_args(%while3A_74 = %while3A_60) -> (i32)  : i32 {
      %mul3A_75 = arith.constant 8 : i32
      %mul3A_76 = arith.muli %while3A_73, %mul3A_75 : i32
      %sub3A_77 = arith.subi %min3A, %mul3A_76 : i32
      %min3A_78 = arith.constant 8 : i32
      %min3A_79 = arith.minsi %min3A_78, %sub3A_77 : i32
      %mul3A_80 = arith.constant 80 : i32
      %mul3A_81 = arith.muli %add3A, %mul3A_80 : i32
      %mul3A_82 = arith.constant 8 : i32
      %mul3A_83 = arith.muli %while3A_73, %mul3A_82 : i32
      %add3A_84 = arith.addi %mul3A_81, %mul3A_83 : i32
      %run_scoped3A_85 = arith.constant 1 : i32
      "tpu.region"() ({
        %run_scoped3A_99 = tpu.sem_alloc : memref<!tpu.dma_semaphore, #tpu.memory_space<semaphore_mem>>
        %dma_start3A = arith.constant 0 : i32
        %dma_start3A_100 = tpu.memref_slice %arg3[%run_scoped3A_85, %add3A_84, %dma_start3A] : memref<2x2560x128xi32, #tpu.memory_space<hbm>> -> memref<1x8x128xi32, #tpu.memory_space<hbm>>
        %dma_start3A_101 = tpu.memref_squeeze %dma_start3A_100 : memref<1x8x128xi32, #tpu.memory_space<hbm>> -> memref<8x128xi32, #tpu.memory_space<hbm>>
        %dma_start3A_102 = arith.constant 0 : i32
        %dma_start3A_103 = tpu.memref_slice %arg3[%run_scoped3A_85, %add3A_84, %dma_start3A_102] : memref<2x2560x128xi32, #tpu.memory_space<hbm>> -> memref<1x8x128xi32, #tpu.memory_space<hbm>>
        %dma_start3A_104 = tpu.memref_squeeze %dma_start3A_103 : memref<1x8x128xi32, #tpu.memory_space<hbm>> -> memref<8x128xi32, #tpu.memory_space<hbm>>
        tpu.enqueue_dma source(%dma_start3A_104 : memref<8x128xi32, #tpu.memory_space<hbm>>) target(%arg7 : memref<8x128xi32, #tpu.memory_space<vmem>>) target_semaphore(%run_scoped3A_99 : memref<!tpu.dma_semaphore, #tpu.memory_space<semaphore_mem>>)
        %dma_wait3A = arith.constant 0 : i32
        %dma_wait3A_105 = tpu.memref_slice %arg3[%run_scoped3A_85, %add3A_84, %dma_wait3A] : memref<2x2560x128xi32, #tpu.memory_space<hbm>> -> memref<1x8x128xi32, #tpu.memory_space<hbm>>
        %dma_wait3A_106 = tpu.memref_squeeze %dma_wait3A_105 : memref<1x8x128xi32, #tpu.memory_space<hbm>> -> memref<8x128xi32, #tpu.memory_space<hbm>>
        %dma_wait3A_107 = arith.constant 0 : i32
        %dma_wait3A_108 = tpu.memref_slice %arg3[%run_scoped3A_85, %add3A_84, %dma_wait3A_107] : memref<2x2560x128xi32, #tpu.memory_space<hbm>> -> memref<1x8x128xi32, #tpu.memory_space<hbm>>
        %dma_wait3A_109 = tpu.memref_squeeze %dma_wait3A_108 : memref<1x8x128xi32, #tpu.memory_space<hbm>> -> memref<8x128xi32, #tpu.memory_space<hbm>>
        tpu.wait_dma2 semaphore(%run_scoped3A_99 : memref<!tpu.dma_semaphore, #tpu.memory_space<semaphore_mem>>) src(%dma_wait3A_109 : memref<8x128xi32, #tpu.memory_space<hbm>>) dst(%arg7 : memref<8x128xi32, #tpu.memory_space<vmem>>)
        tpu.yield
      }) : () -> ()
      %while3A_86 = arith.constant 0 : i32
      %while3A_87 = arith.constant 0 : i32
      %while3A_88 = arith.subi %min3A_79, %while3A_86 : i32
      %while3A_89 = arith.addi %while3A_86, %while3A_88 : i32
      %while3A_90 = arith.constant 1 : i32
      %while3A_91 = arith.divsi %while3A_88, %while3A_90 : i32
      %while3A_92 = arith.muli %while3A_91, %while3A_90 : i32
      %while3A_93 = arith.addi %while3A_86, %while3A_92 : i32
      %while3A_94 = arith.constant 1 : i32
      %while3A_95 = scf.for %while3A_99 = %while3A_86 to %while3A_93 step %while3A_94 iter_args(%while3A_100 = %while3A_87) -> (i32)  : i32 {
        %mul3A_101 = arith.constant 8 : i32
        %mul3A_102 = arith.muli %while3A_73, %mul3A_101 : i32
        %add3A_103 = arith.addi %mul3A_102, %while3A_99 : i32
        %rem3A_104 = arith.constant 2 : i32
        %rem3A_105 = arith.remsi %add3A_103, %rem3A_104 : i32
        %dma_wait3A = arith.constant 0 : i32
        %dma_wait3A_106 = arith.constant 0 : i32
        %dma_wait3A_107 = tpu.memref_slice %arg8[%rem3A_105, %dma_wait3A, %dma_wait3A_106] : memref<2x128x128xf32, #tpu.memory_space<vmem>> -> memref<1x128x128xf32, #tpu.memory_space<vmem>>
        %dma_wait3A_108 = tpu.memref_squeeze %dma_wait3A_107 : memref<1x128x128xf32, #tpu.memory_space<vmem>> -> memref<128x128xf32, #tpu.memory_space<vmem>>
        %dma_wait3A_109 = arith.constant 0 : i32
        %dma_wait3A_110 = tpu.memref_slice %arg6[%add3A_103, %dma_wait3A_109] : memref<80x128xi32, #tpu.memory_space<vmem>> -> memref<1x128xi32, #tpu.memory_space<vmem>>
        %dma_wait3A_111 = tpu.memref_squeeze %dma_wait3A_110 : memref<1x128xi32, #tpu.memory_space<vmem>> -> memref<128xi32, #tpu.memory_space<vmem>>
        %dma_wait3A_112 = arith.constant 0 : i32
        %dma_wait3A_113 = arith.constant 0 : i32
        %dma_wait3A_114 = tpu.memref_slice %arg2[%dma_wait3A_112, %dma_wait3A_113] : memref<10000x128xf32, #tpu.memory_space<hbm>> -> memref<10000x128xf32, #tpu.memory_space<hbm>>
        tpu.wait_indirect_dma semaphore(%arg10 : memref<!tpu.dma_semaphore, #tpu.memory_space<semaphore_mem>>) src(%dma_wait3A_114 : memref<10000x128xf32, #tpu.memory_space<hbm>>) dst(%dma_wait3A_108 : memref<128x128xf32, #tpu.memory_space<vmem>>)
        %add3A_115 = arith.constant 1 : i32
        %add3A_116 = arith.addi %add3A_103, %add3A_115 : i32
        %lt3A = arith.cmpi slt, %add3A_116, %min3A : i32
        %convert_element_type3A_117 = arith.extui %lt3A : i1 to i32
        %cond3A_118 = arith.constant 0 : i32
        %cond3A_119 = arith.cmpi ne, %convert_element_type3A_117, %cond3A_118 : i32
        scf.if %cond3A_119 {
          %add3A_121 = arith.constant 1 : i32
          %add3A_122 = arith.addi %add3A_103, %add3A_121 : i32
          %sub3A_123 = arith.constant 1 : i32
          %sub3A_124 = arith.subi %sub3A_123, %rem3A_105 : i32
          %dma_start3A = arith.constant 0 : i32
          %dma_start3A_125 = arith.constant 0 : i32
          %dma_start3A_126 = tpu.memref_slice %arg8[%sub3A_124, %dma_start3A, %dma_start3A_125] : memref<2x128x128xf32, #tpu.memory_space<vmem>> -> memref<1x128x128xf32, #tpu.memory_space<vmem>>
          %dma_start3A_127 = tpu.memref_squeeze %dma_start3A_126 : memref<1x128x128xf32, #tpu.memory_space<vmem>> -> memref<128x128xf32, #tpu.memory_space<vmem>>
          %dma_start3A_128 = arith.constant 0 : i32
          %dma_start3A_129 = tpu.memref_slice %arg6[%add3A_122, %dma_start3A_128] : memref<80x128xi32, #tpu.memory_space<vmem>> -> memref<1x128xi32, #tpu.memory_space<vmem>>
          %dma_start3A_130 = tpu.memref_squeeze %dma_start3A_129 : memref<1x128xi32, #tpu.memory_space<vmem>> -> memref<128xi32, #tpu.memory_space<vmem>>
          %dma_start3A_131 = arith.constant 0 : i32
          %dma_start3A_132 = arith.constant 0 : i32
          %dma_start3A_133 = tpu.memref_slice %arg2[%dma_start3A_131, %dma_start3A_132] : memref<10000x128xf32, #tpu.memory_space<hbm>> -> memref<10000x128xf32, #tpu.memory_space<hbm>>
          tpu.enqueue_indirect_dma source(%dma_start3A_133 : memref<10000x128xf32, #tpu.memory_space<hbm>>) target(%dma_start3A_127 : memref<128x128xf32, #tpu.memory_space<vmem>>) offsets(%dma_start3A_130 : memref<128xi32, #tpu.memory_space<vmem>>) semaphore(%arg10 : memref<!tpu.dma_semaphore, #tpu.memory_space<semaphore_mem>>)
        } else {
        }
        "tpu.region"() ({
          %run_scoped3A_121 = tpu.sem_alloc : memref<!tpu.dma_semaphore, #tpu.memory_space<semaphore_mem>>
          %dma_start3A = arith.constant 0 : i32
          %dma_start3A_122 = arith.constant 0 : i32
          %dma_start3A_123 = tpu.memref_slice %arg8[%rem3A_105, %dma_start3A, %dma_start3A_122] : memref<2x128x128xf32, #tpu.memory_space<vmem>> -> memref<1x128x128xf32, #tpu.memory_space<vmem>>
          %dma_start3A_124 = tpu.memref_squeeze %dma_start3A_123 : memref<1x128x128xf32, #tpu.memory_space<vmem>> -> memref<128x128xf32, #tpu.memory_space<vmem>>
          %dma_start3A_125 = arith.constant 0 : i32
          %dma_start3A_126 = tpu.memref_slice %arg7[%while3A_99, %dma_start3A_125] : memref<8x128xi32, #tpu.memory_space<vmem>> -> memref<1x128xi32, #tpu.memory_space<vmem>>
          %dma_start3A_127 = tpu.memref_squeeze %dma_start3A_126 : memref<1x128xi32, #tpu.memory_space<vmem>> -> memref<128xi32, #tpu.memory_space<vmem>>
          %dma_start3A_128 = arith.constant 0 : i32
          %dma_start3A_129 = arith.constant 0 : i32
          %dma_start3A_130 = tpu.memref_slice %arg9[%dma_start3A_128, %dma_start3A_129] : memref<10112x128xf32, #tpu.memory_space<vmem_shared>> -> memref<10112x128xf32, #tpu.memory_space<vmem_shared>>
          tpu.enqueue_indirect_dma source(%dma_start3A_124 : memref<128x128xf32, #tpu.memory_space<vmem>>) target(%dma_start3A_130 : memref<10112x128xf32, #tpu.memory_space<vmem_shared>>) offsets(%dma_start3A_127 : memref<128xi32, #tpu.memory_space<vmem>>) semaphore(%run_scoped3A_121 : memref<!tpu.dma_semaphore, #tpu.memory_space<semaphore_mem>>) {add = true}
          %dma_wait3A_131 = arith.constant 0 : i32
          %dma_wait3A_132 = arith.constant 0 : i32
          %dma_wait3A_133 = tpu.memref_slice %arg8[%rem3A_105, %dma_wait3A_131, %dma_wait3A_132] : memref<2x128x128xf32, #tpu.memory_space<vmem>> -> memref<1x128x128xf32, #tpu.memory_space<vmem>>
          %dma_wait3A_134 = tpu.memref_squeeze %dma_wait3A_133 : memref<1x128x128xf32, #tpu.memory_space<vmem>> -> memref<128x128xf32, #tpu.memory_space<vmem>>
          %dma_wait3A_135 = arith.constant 0 : i32
          %dma_wait3A_136 = tpu.memref_slice %arg7[%while3A_99, %dma_wait3A_135] : memref<8x128xi32, #tpu.memory_space<vmem>> -> memref<1x128xi32, #tpu.memory_space<vmem>>
          %dma_wait3A_137 = tpu.memref_squeeze %dma_wait3A_136 : memref<1x128xi32, #tpu.memory_space<vmem>> -> memref<128xi32, #tpu.memory_space<vmem>>
          %dma_wait3A_138 = arith.constant 0 : i32
          %dma_wait3A_139 = arith.constant 0 : i32
          %dma_wait3A_140 = tpu.memref_slice %arg9[%dma_wait3A_138, %dma_wait3A_139] : memref<10112x128xf32, #tpu.memory_space<vmem_shared>> -> memref<10112x128xf32, #tpu.memory_space<vmem_shared>>
          tpu.wait_indirect_dma semaphore(%run_scoped3A_121 : memref<!tpu.dma_semaphore, #tpu.memory_space<semaphore_mem>>) src(%dma_wait3A_134 : memref<128x128xf32, #tpu.memory_space<vmem>>) dst(%dma_wait3A_140 : memref<10112x128xf32, #tpu.memory_space<vmem_shared>>)
          tpu.yield
        }) : () -> ()
        %while3A_120 = arith.constant 0 : i32
        scf.yield %while3A_120 : i32
      }
      %while3A_96 = arith.constant 1 : i32
      %while3A_97 = scf.for %while3A_99 = %while3A_93 to %while3A_89 step %while3A_96 iter_args(%while3A_100 = %while3A_95) -> (i32)  : i32 {
        %mul3A_101 = arith.constant 8 : i32
        %mul3A_102 = arith.muli %while3A_73, %mul3A_101 : i32
        %add3A_103 = arith.addi %mul3A_102, %while3A_99 : i32
        %rem3A_104 = arith.constant 2 : i32
        %rem3A_105 = arith.remsi %add3A_103, %rem3A_104 : i32
        %dma_wait3A = arith.constant 0 : i32
        %dma_wait3A_106 = arith.constant 0 : i32
        %dma_wait3A_107 = tpu.memref_slice %arg8[%rem3A_105, %dma_wait3A, %dma_wait3A_106] : memref<2x128x128xf32, #tpu.memory_space<vmem>> -> memref<1x128x128xf32, #tpu.memory_space<vmem>>
        %dma_wait3A_108 = tpu.memref_squeeze %dma_wait3A_107 : memref<1x128x128xf32, #tpu.memory_space<vmem>> -> memref<128x128xf32, #tpu.memory_space<vmem>>
        %dma_wait3A_109 = arith.constant 0 : i32
        %dma_wait3A_110 = tpu.memref_slice %arg6[%add3A_103, %dma_wait3A_109] : memref<80x128xi32, #tpu.memory_space<vmem>> -> memref<1x128xi32, #tpu.memory_space<vmem>>
        %dma_wait3A_111 = tpu.memref_squeeze %dma_wait3A_110 : memref<1x128xi32, #tpu.memory_space<vmem>> -> memref<128xi32, #tpu.memory_space<vmem>>
        %dma_wait3A_112 = arith.constant 0 : i32
        %dma_wait3A_113 = arith.constant 0 : i32
        %dma_wait3A_114 = tpu.memref_slice %arg2[%dma_wait3A_112, %dma_wait3A_113] : memref<10000x128xf32, #tpu.memory_space<hbm>> -> memref<10000x128xf32, #tpu.memory_space<hbm>>
        tpu.wait_indirect_dma semaphore(%arg10 : memref<!tpu.dma_semaphore, #tpu.memory_space<semaphore_mem>>) src(%dma_wait3A_114 : memref<10000x128xf32, #tpu.memory_space<hbm>>) dst(%dma_wait3A_108 : memref<128x128xf32, #tpu.memory_space<vmem>>)
        %add3A_115 = arith.constant 1 : i32
        %add3A_116 = arith.addi %add3A_103, %add3A_115 : i32
        %lt3A = arith.cmpi slt, %add3A_116, %min3A : i32
        %convert_element_type3A_117 = arith.extui %lt3A : i1 to i32
        %cond3A_118 = arith.constant 0 : i32
        %cond3A_119 = arith.cmpi ne, %convert_element_type3A_117, %cond3A_118 : i32
        scf.if %cond3A_119 {
          %add3A_121 = arith.constant 1 : i32
          %add3A_122 = arith.addi %add3A_103, %add3A_121 : i32
          %sub3A_123 = arith.constant 1 : i32
          %sub3A_124 = arith.subi %sub3A_123, %rem3A_105 : i32
          %dma_start3A = arith.constant 0 : i32
          %dma_start3A_125 = arith.constant 0 : i32
          %dma_start3A_126 = tpu.memref_slice %arg8[%sub3A_124, %dma_start3A, %dma_start3A_125] : memref<2x128x128xf32, #tpu.memory_space<vmem>> -> memref<1x128x128xf32, #tpu.memory_space<vmem>>
          %dma_start3A_127 = tpu.memref_squeeze %dma_start3A_126 : memref<1x128x128xf32, #tpu.memory_space<vmem>> -> memref<128x128xf32, #tpu.memory_space<vmem>>
          %dma_start3A_128 = arith.constant 0 : i32
          %dma_start3A_129 = tpu.memref_slice %arg6[%add3A_122, %dma_start3A_128] : memref<80x128xi32, #tpu.memory_space<vmem>> -> memref<1x128xi32, #tpu.memory_space<vmem>>
          %dma_start3A_130 = tpu.memref_squeeze %dma_start3A_129 : memref<1x128xi32, #tpu.memory_space<vmem>> -> memref<128xi32, #tpu.memory_space<vmem>>
          %dma_start3A_131 = arith.constant 0 : i32
          %dma_start3A_132 = arith.constant 0 : i32
          %dma_start3A_133 = tpu.memref_slice %arg2[%dma_start3A_131, %dma_start3A_132] : memref<10000x128xf32, #tpu.memory_space<hbm>> -> memref<10000x128xf32, #tpu.memory_space<hbm>>
          tpu.enqueue_indirect_dma source(%dma_start3A_133 : memref<10000x128xf32, #tpu.memory_space<hbm>>) target(%dma_start3A_127 : memref<128x128xf32, #tpu.memory_space<vmem>>) offsets(%dma_start3A_130 : memref<128xi32, #tpu.memory_space<vmem>>) semaphore(%arg10 : memref<!tpu.dma_semaphore, #tpu.memory_space<semaphore_mem>>)
        } else {
        }
        "tpu.region"() ({
          %run_scoped3A_121 = tpu.sem_alloc : memref<!tpu.dma_semaphore, #tpu.memory_space<semaphore_mem>>
          %dma_start3A = arith.constant 0 : i32
          %dma_start3A_122 = arith.constant 0 : i32
          %dma_start3A_123 = tpu.memref_slice %arg8[%rem3A_105, %dma_start3A, %dma_start3A_122] : memref<2x128x128xf32, #tpu.memory_space<vmem>> -> memref<1x128x128xf32, #tpu.memory_space<vmem>>
          %dma_start3A_124 = tpu.memref_squeeze %dma_start3A_123 : memref<1x128x128xf32, #tpu.memory_space<vmem>> -> memref<128x128xf32, #tpu.memory_space<vmem>>
          %dma_start3A_125 = arith.constant 0 : i32
          %dma_start3A_126 = tpu.memref_slice %arg7[%while3A_99, %dma_start3A_125] : memref<8x128xi32, #tpu.memory_space<vmem>> -> memref<1x128xi32, #tpu.memory_space<vmem>>
          %dma_start3A_127 = tpu.memref_squeeze %dma_start3A_126 : memref<1x128xi32, #tpu.memory_space<vmem>> -> memref<128xi32, #tpu.memory_space<vmem>>
          %dma_start3A_128 = arith.constant 0 : i32
          %dma_start3A_129 = arith.constant 0 : i32
          %dma_start3A_130 = tpu.memref_slice %arg9[%dma_start3A_128, %dma_start3A_129] : memref<10112x128xf32, #tpu.memory_space<vmem_shared>> -> memref<10112x128xf32, #tpu.memory_space<vmem_shared>>
          tpu.enqueue_indirect_dma source(%dma_start3A_124 : memref<128x128xf32, #tpu.memory_space<vmem>>) target(%dma_start3A_130 : memref<10112x128xf32, #tpu.memory_space<vmem_shared>>) offsets(%dma_start3A_127 : memref<128xi32, #tpu.memory_space<vmem>>) semaphore(%run_scoped3A_121 : memref<!tpu.dma_semaphore, #tpu.memory_space<semaphore_mem>>) {add = true}
          %dma_wait3A_131 = arith.constant 0 : i32
          %dma_wait3A_132 = arith.constant 0 : i32
          %dma_wait3A_133 = tpu.memref_slice %arg8[%rem3A_105, %dma_wait3A_131, %dma_wait3A_132] : memref<2x128x128xf32, #tpu.memory_space<vmem>> -> memref<1x128x128xf32, #tpu.memory_space<vmem>>
          %dma_wait3A_134 = tpu.memref_squeeze %dma_wait3A_133 : memref<1x128x128xf32, #tpu.memory_space<vmem>> -> memref<128x128xf32, #tpu.memory_space<vmem>>
          %dma_wait3A_135 = arith.constant 0 : i32
          %dma_wait3A_136 = tpu.memref_slice %arg7[%while3A_99, %dma_wait3A_135] : memref<8x128xi32, #tpu.memory_space<vmem>> -> memref<1x128xi32, #tpu.memory_space<vmem>>
          %dma_wait3A_137 = tpu.memref_squeeze %dma_wait3A_136 : memref<1x128xi32, #tpu.memory_space<vmem>> -> memref<128xi32, #tpu.memory_space<vmem>>
          %dma_wait3A_138 = arith.constant 0 : i32
          %dma_wait3A_139 = arith.constant 0 : i32
          %dma_wait3A_140 = tpu.memref_slice %arg9[%dma_wait3A_138, %dma_wait3A_139] : memref<10112x128xf32, #tpu.memory_space<vmem_shared>> -> memref<10112x128xf32, #tpu.memory_space<vmem_shared>>
          tpu.wait_indirect_dma semaphore(%run_scoped3A_121 : memref<!tpu.dma_semaphore, #tpu.memory_space<semaphore_mem>>) src(%dma_wait3A_134 : memref<128x128xf32, #tpu.memory_space<vmem>>) dst(%dma_wait3A_140 : memref<10112x128xf32, #tpu.memory_space<vmem_shared>>)
          tpu.yield
        }) : () -> ()
        %while3A_120 = arith.constant 0 : i32
        scf.yield %while3A_120 : i32
      }
      %while3A_98 = arith.constant 0 : i32
      scf.yield %while3A_98 : i32
    }
    %barrier3A_63 = arith.constant 0 : index
    tpu.barrier barrier_id(%barrier3A_63)
    %eq3A = arith.constant 0 : i32
    %eq3A_64 = arith.cmpi eq, %arg0, %eq3A : i32
    %convert_element_type3A_65 = arith.extui %eq3A_64 : i1 to i32
    %cond3A_66 = arith.constant 0 : i32
    %cond3A_67 = arith.cmpi ne, %convert_element_type3A_65, %cond3A_66 : i32
    scf.if %cond3A_67 {
      "tpu.region"() ({
        %run_scoped3A_73 = tpu.sem_alloc : memref<!tpu.dma_semaphore, #tpu.memory_space<semaphore_mem>>
        %dma_start3A = arith.constant 0 : i32
        %dma_start3A_74 = tpu.memref_slice %arg4[%mul3A_2, %dma_start3A] : memref<10112x128xf32, #tpu.memory_space<hbm>> -> memref<632x128xf32, #tpu.memory_space<hbm>>
        %dma_start3A_75 = arith.constant 0 : i32
        %dma_start3A_76 = tpu.memref_slice %arg9[%mul3A_2, %dma_start3A_75] : memref<10112x128xf32, #tpu.memory_space<vmem_shared>> -> memref<632x128xf32, #tpu.memory_space<vmem_shared>>
        tpu.enqueue_dma source(%dma_start3A_76 : memref<632x128xf32, #tpu.memory_space<vmem_shared>>) target(%dma_start3A_74 : memref<632x128xf32, #tpu.memory_space<hbm>>) target_semaphore(%run_scoped3A_73 : memref<!tpu.dma_semaphore, #tpu.memory_space<semaphore_mem>>)
        %dma_wait3A = arith.constant 0 : i32
        %dma_wait3A_77 = tpu.memref_slice %arg4[%mul3A_2, %dma_wait3A] : memref<10112x128xf32, #tpu.memory_space<hbm>> -> memref<632x128xf32, #tpu.memory_space<hbm>>
        %dma_wait3A_78 = arith.constant 0 : i32
        %dma_wait3A_79 = tpu.memref_slice %arg9[%mul3A_2, %dma_wait3A_78] : memref<10112x128xf32, #tpu.memory_space<vmem_shared>> -> memref<632x128xf32, #tpu.memory_space<vmem_shared>>
        tpu.wait_dma2 semaphore(%run_scoped3A_73 : memref<!tpu.dma_semaphore, #tpu.memory_space<semaphore_mem>>) src(%dma_wait3A_79 : memref<632x128xf32, #tpu.memory_space<vmem_shared>>) dst(%dma_wait3A_77 : memref<632x128xf32, #tpu.memory_space<hbm>>)
        tpu.yield
      }) : () -> ()
    } else {
    }
    %eq3A_68 = arith.constant 1 : i32
    %eq3A_69 = arith.cmpi eq, %arg0, %eq3A_68 : i32
    %convert_element_type3A_70 = arith.extui %eq3A_69 : i1 to i32
    %cond3A_71 = arith.constant 0 : i32
    %cond3A_72 = arith.cmpi ne, %convert_element_type3A_70, %cond3A_71 : i32
    scf.if %cond3A_72 {
      "tpu.region"() ({
        %run_scoped3A_73 = tpu.sem_alloc : memref<!tpu.dma_semaphore, #tpu.memory_space<semaphore_mem>>
        %dma_start3A = arith.constant 0 : i32
        %dma_start3A_74 = tpu.memref_slice %arg5[%mul3A_2, %dma_start3A] : memref<10112x128xf32, #tpu.memory_space<hbm>> -> memref<632x128xf32, #tpu.memory_space<hbm>>
        %dma_start3A_75 = arith.constant 0 : i32
        %dma_start3A_76 = tpu.memref_slice %arg9[%mul3A_2, %dma_start3A_75] : memref<10112x128xf32, #tpu.memory_space<vmem_shared>> -> memref<632x128xf32, #tpu.memory_space<vmem_shared>>
        tpu.enqueue_dma source(%dma_start3A_76 : memref<632x128xf32, #tpu.memory_space<vmem_shared>>) target(%dma_start3A_74 : memref<632x128xf32, #tpu.memory_space<hbm>>) target_semaphore(%run_scoped3A_73 : memref<!tpu.dma_semaphore, #tpu.memory_space<semaphore_mem>>)
        %dma_wait3A = arith.constant 0 : i32
        %dma_wait3A_77 = tpu.memref_slice %arg5[%mul3A_2, %dma_wait3A] : memref<10112x128xf32, #tpu.memory_space<hbm>> -> memref<632x128xf32, #tpu.memory_space<hbm>>
        %dma_wait3A_78 = arith.constant 0 : i32
        %dma_wait3A_79 = tpu.memref_slice %arg9[%mul3A_2, %dma_wait3A_78] : memref<10112x128xf32, #tpu.memory_space<vmem_shared>> -> memref<632x128xf32, #tpu.memory_space<vmem_shared>>
        tpu.wait_dma2 semaphore(%run_scoped3A_73 : memref<!tpu.dma_semaphore, #tpu.memory_space<semaphore_mem>>) src(%dma_wait3A_79 : memref<632x128xf32, #tpu.memory_space<vmem_shared>>) dst(%dma_wait3A_77 : memref<632x128xf32, #tpu.memory_space<hbm>>)
        tpu.yield
      }) : () -> ()
    } else {
    }
    return
  }
}

module attributes {stable_mosaic.version = 14 : i64} {
  func.func @_tc_y_body(%arg0: i32, %arg1: memref<2000x128xf32, #tpu.memory_space<vmem>>, %arg2: memref<128x128xf32, #tpu.memory_space<vmem>>, %arg3: memref<1x32x2000xf32, #tpu.memory_space<vmem>>, %arg4: memref<2000x128xf32, #tpu.memory_space<vmem>>) attributes {dimension_semantics = [#tpu.dimension_semantics<arbitrary>], iteration_bounds = array<i64: 5>, scalar_prefetch = 0 : i64, scratch_operands = 0 : i64, tpu.core_type = #tpu.core_type<tc>, window_params = [{transform_indices = @transform_0, window_bounds = array<i64: 2000, 128>}, {pipeline_mode = #tpu.pipeline_mode<synchronous>, transform_indices = @transform_1, window_bounds = array<i64: 128, 128>}, {transform_indices = @transform_2, window_bounds = array<i64: 1, 32, 2000>}, {transform_indices = @transform_3, window_bounds = array<i64: 2000, 128>}]} {
    %get3A = arith.constant 0 : index
    %get3A_0 = arith.constant 0 : index
    %get3A_1 = vector.load %arg1[%get3A, %get3A_0] : memref<2000x128xf32, #tpu.memory_space<vmem>>, vector<2000x128xf32>
    %get3A_2 = arith.constant 0 : index
    %get3A_3 = arith.constant 0 : index
    %get3A_4 = vector.load %arg2[%get3A_2, %get3A_3] : memref<128x128xf32, #tpu.memory_space<vmem>>, vector<128x128xf32>
    %dot_general3A = arith.constant dense<0.000000e+00> : vector<2000x128xf32>
    %dot_general3A_5 = tpu.matmul %get3A_1, %get3A_4, %dot_general3A {dimension_numbers = #tpu.dot_dimension_numbers<[1], [0], [0], [1], [0, 0, 1, 1], [], []>, transpose_lhs_hint = false} : vector<2000x128xf32>, vector<128x128xf32>, vector<2000x128xf32> -> vector<2000x128xf32>
    %get3A_6 = arith.constant 0 : index
    %get3A_7 = arith.constant 0 : index
    %get3A_8 = arith.constant 0 : index
    %get3A_9 = vector.load %arg3[%get3A_6, %get3A_7, %get3A_8] : memref<1x32x2000xf32, #tpu.memory_space<vmem>>, vector<1x32x2000xf32>
    %get3A_10 = vector.shape_cast %get3A_9 : vector<1x32x2000xf32> to vector<32x2000xf32>
    %reduce_sum3A = arith.constant dense<0.000000e+00> : vector<2000xf32>
    %reduce_sum3A_11 = vector.multi_reduction <add>, %get3A_10, %reduce_sum3A [0] : vector<32x2000xf32> to vector<2000xf32>
    %add3A = arith.constant 1.000000e+00 : f32
    %add3A_12 = vector.broadcast %add3A : f32 to vector<2000xf32>
    %add3A_13 = arith.addf %add3A_12, %reduce_sum3A_11 : vector<2000xf32>
    %rsqrt3A = math.rsqrt %add3A_13 : vector<2000xf32>
    %broadcast_in_dim3A = vector.shape_cast %rsqrt3A : vector<2000xf32> to vector<2000x1xf32>
    %mul3A = vector.broadcast %broadcast_in_dim3A : vector<2000x1xf32> to vector<2000x128xf32>
    %mul3A_14 = arith.mulf %dot_general3A_5, %mul3A : vector<2000x128xf32>
    %swap3A = arith.constant 0 : index
    %swap3A_15 = arith.constant 0 : index
    %swap3A_16 = vector.load %arg4[%swap3A, %swap3A_15] : memref<2000x128xf32, #tpu.memory_space<vmem>>, vector<2000x128xf32>
    tpu.vector_store %arg4[%swap3A, %swap3A_15], %mul3A_14 {strides = array<i32>} : memref<2000x128xf32, #tpu.memory_space<vmem>>, vector<2000x128xf32>,
    return
  }
  func.func @transform_0(%arg0: i32) -> (i32, i32) {
    %c0_i32 = arith.constant 0 : i32
    %c0_i32_0 = arith.constant 0 : i32
    return %arg0, %c0_i32 : i32, i32
  }
  func.func @transform_1(%arg0: i32) -> (i32, i32) {
    %c0_i32 = arith.constant 0 : i32
    %c0_i32_0 = arith.constant 0 : i32
    %c0_i32_1 = arith.constant 0 : i32
    return %c0_i32, %c0_i32_0 : i32, i32
  }
  func.func @transform_2(%arg0: i32) -> (i32, i32, i32) {
    %c0_i32 = arith.constant 0 : i32
    %c0_i32_0 = arith.constant 0 : i32
    %c0_i32_1 = arith.constant 0 : i32
    return %arg0, %c0_i32, %c0_i32_0 : i32, i32, i32
  }
  func.func @transform_3(%arg0: i32) -> (i32, i32) {
    %c0_i32 = arith.constant 0 : i32
    %c0_i32_0 = arith.constant 0 : i32
    return %arg0, %c0_i32 : i32, i32
  }
}

module attributes {stable_mosaic.version = 14 : i64} {
  func.func @_tc_head_body(%arg0: i32, %arg1: memref<2000x128xf32, #tpu.memory_space<vmem>>, %arg2: memref<2000x128xf32, #tpu.memory_space<vmem>>, %arg3: memref<2000x128xf32, #tpu.memory_space<vmem>>, %arg4: memref<1x32x2000xf32, #tpu.memory_space<vmem>>, %arg5: memref<2000x128xf32, #tpu.memory_space<vmem>>, %arg6: memref<1x128xf32, #tpu.memory_space<vmem>>, %arg7: memref<128x32xf32, #tpu.memory_space<vmem>>, %arg8: memref<1x32xf32, #tpu.memory_space<vmem>>, %arg9: memref<32x32xf32, #tpu.memory_space<vmem>>, %arg10: memref<1x32xf32, #tpu.memory_space<vmem>>, %arg11: memref<32x2xf32, #tpu.memory_space<vmem>>, %arg12: memref<1x2xf32, #tpu.memory_space<vmem>>, %arg13: memref<2000x2xf32, #tpu.memory_space<vmem>>) attributes {dimension_semantics = [#tpu.dimension_semantics<arbitrary>], iteration_bounds = array<i64: 5>, scalar_prefetch = 0 : i64, scratch_operands = 0 : i64, tpu.core_type = #tpu.core_type<tc>, window_params = [{transform_indices = @transform_0, window_bounds = array<i64: 2000, 128>}, {transform_indices = @transform_1, window_bounds = array<i64: 2000, 128>}, {transform_indices = @transform_2, window_bounds = array<i64: 2000, 128>}, {transform_indices = @transform_3, window_bounds = array<i64: 1, 32, 2000>}, {transform_indices = @transform_4, window_bounds = array<i64: 2000, 128>}, {pipeline_mode = #tpu.pipeline_mode<synchronous>, transform_indices = @transform_5, window_bounds = array<i64: 1, 128>}, {pipeline_mode = #tpu.pipeline_mode<synchronous>, transform_indices = @transform_6, window_bounds = array<i64: 128, 32>}, {pipeline_mode = #tpu.pipeline_mode<synchronous>, transform_indices = @transform_7, window_bounds = array<i64: 1, 32>}, {pipeline_mode = #tpu.pipeline_mode<synchronous>, transform_indices = @transform_8, window_bounds = array<i64: 32, 32>}, {pipeline_mode = #tpu.pipeline_mode<synchronous>, transform_indices = @transform_9, window_bounds = array<i64: 1, 32>}, {pipeline_mode = #tpu.pipeline_mode<synchronous>, transform_indices = @transform_10, window_bounds = array<i64: 32, 2>}, {pipeline_mode = #tpu.pipeline_mode<synchronous>, transform_indices = @transform_11, window_bounds = array<i64: 1, 2>}, {transform_indices = @transform_12, window_bounds = array<i64: 2000, 2>}]} {
    %get3A = arith.constant 0 : index
    %get3A_0 = arith.constant 0 : index
    %get3A_1 = arith.constant 0 : index
    %get3A_2 = vector.load %arg4[%get3A, %get3A_0, %get3A_1] : memref<1x32x2000xf32, #tpu.memory_space<vmem>>, vector<1x32x2000xf32>
    %get3A_3 = vector.shape_cast %get3A_2 : vector<1x32x2000xf32> to vector<32x2000xf32>
    %reduce_sum3A = arith.constant dense<0.000000e+00> : vector<2000xf32>
    %reduce_sum3A_4 = vector.multi_reduction <add>, %get3A_3, %reduce_sum3A [0] : vector<32x2000xf32> to vector<2000xf32>
    %add3A = arith.constant 1.000000e+00 : f32
    %add3A_5 = vector.broadcast %add3A : f32 to vector<2000xf32>
    %add3A_6 = arith.addf %add3A_5, %reduce_sum3A_4 : vector<2000xf32>
    %rsqrt3A = math.rsqrt %add3A_6 : vector<2000xf32>
    %get3A_7 = arith.constant 0 : index
    %get3A_8 = arith.constant 0 : index
    %get3A_9 = vector.load %arg1[%get3A_7, %get3A_8] : memref<2000x128xf32, #tpu.memory_space<vmem>>, vector<2000x128xf32>
    %get3A_10 = arith.constant 0 : index
    %get3A_11 = arith.constant 0 : index
    %get3A_12 = vector.load %arg2[%get3A_10, %get3A_11] : memref<2000x128xf32, #tpu.memory_space<vmem>>, vector<2000x128xf32>
    %add3A_13 = arith.addf %get3A_9, %get3A_12 : vector<2000x128xf32>
    %get3A_14 = arith.constant 0 : index
    %get3A_15 = arith.constant 0 : index
    %get3A_16 = vector.load %arg3[%get3A_14, %get3A_15] : memref<2000x128xf32, #tpu.memory_space<vmem>>, vector<2000x128xf32>
    %add3A_17 = arith.addf %add3A_13, %get3A_16 : vector<2000x128xf32>
    %broadcast_in_dim3A = vector.shape_cast %rsqrt3A : vector<2000xf32> to vector<2000x1xf32>
    %mul3A = vector.broadcast %broadcast_in_dim3A : vector<2000x1xf32> to vector<2000x128xf32>
    %mul3A_18 = arith.mulf %add3A_17, %mul3A : vector<2000x128xf32>
    %get3A_19 = arith.constant 0 : index
    %get3A_20 = arith.constant 0 : index
    %get3A_21 = vector.load %arg6[%get3A_19, %get3A_20] : memref<1x128xf32, #tpu.memory_space<vmem>>, vector<1x128xf32>
    %add3A_22 = vector.broadcast %get3A_21 : vector<1x128xf32> to vector<2000x128xf32>
    %add3A_23 = arith.addf %mul3A_18, %add3A_22 : vector<2000x128xf32>
    %max3A = arith.constant 0.000000e+00 : f32
    %max3A_24 = vector.broadcast %max3A : f32 to vector<2000x128xf32>
    %max3A_25 = arith.maximumf %add3A_23, %max3A_24 : vector<2000x128xf32>
    %get3A_26 = arith.constant 0 : index
    %get3A_27 = arith.constant 0 : index
    %get3A_28 = vector.load %arg5[%get3A_26, %get3A_27] : memref<2000x128xf32, #tpu.memory_space<vmem>>, vector<2000x128xf32>
    %add3A_29 = arith.addf %max3A_25, %get3A_28 : vector<2000x128xf32>
    %get3A_30 = arith.constant 0 : index
    %get3A_31 = arith.constant 0 : index
    %get3A_32 = vector.load %arg7[%get3A_30, %get3A_31] : memref<128x32xf32, #tpu.memory_space<vmem>>, vector<128x32xf32>
    %dot_general3A = arith.constant dense<0.000000e+00> : vector<2000x32xf32>
    %dot_general3A_33 = tpu.matmul %add3A_29, %get3A_32, %dot_general3A {dimension_numbers = #tpu.dot_dimension_numbers<[1], [0], [0], [1], [0, 0, 1, 1], [], []>, transpose_lhs_hint = false} : vector<2000x128xf32>, vector<128x32xf32>, vector<2000x32xf32> -> vector<2000x32xf32>
    %get3A_34 = arith.constant 0 : index
    %get3A_35 = arith.constant 0 : index
    %get3A_36 = vector.load %arg8[%get3A_34, %get3A_35] : memref<1x32xf32, #tpu.memory_space<vmem>>, vector<1x32xf32>
    %add3A_37 = vector.broadcast %get3A_36 : vector<1x32xf32> to vector<2000x32xf32>
    %add3A_38 = arith.addf %dot_general3A_33, %add3A_37 : vector<2000x32xf32>
    %max3A_39 = arith.constant 0.000000e+00 : f32
    %max3A_40 = vector.broadcast %max3A_39 : f32 to vector<2000x32xf32>
    %max3A_41 = arith.maximumf %add3A_38, %max3A_40 : vector<2000x32xf32>
    %get3A_42 = arith.constant 0 : index
    %get3A_43 = arith.constant 0 : index
    %get3A_44 = vector.load %arg9[%get3A_42, %get3A_43] : memref<32x32xf32, #tpu.memory_space<vmem>>, vector<32x32xf32>
    %dot_general3A_45 = arith.constant dense<0.000000e+00> : vector<2000x32xf32>
    %dot_general3A_46 = tpu.matmul %max3A_41, %get3A_44, %dot_general3A_45 {dimension_numbers = #tpu.dot_dimension_numbers<[1], [0], [0], [1], [0, 0, 1, 1], [], []>, transpose_lhs_hint = false} : vector<2000x32xf32>, vector<32x32xf32>, vector<2000x32xf32> -> vector<2000x32xf32>
    %get3A_47 = arith.constant 0 : index
    %get3A_48 = arith.constant 0 : index
    %get3A_49 = vector.load %arg10[%get3A_47, %get3A_48] : memref<1x32xf32, #tpu.memory_space<vmem>>, vector<1x32xf32>
    %add3A_50 = vector.broadcast %get3A_49 : vector<1x32xf32> to vector<2000x32xf32>
    %add3A_51 = arith.addf %dot_general3A_46, %add3A_50 : vector<2000x32xf32>
    %max3A_52 = arith.constant 0.000000e+00 : f32
    %max3A_53 = vector.broadcast %max3A_52 : f32 to vector<2000x32xf32>
    %max3A_54 = arith.maximumf %add3A_51, %max3A_53 : vector<2000x32xf32>
    %get3A_55 = arith.constant 0 : index
    %get3A_56 = arith.constant 0 : index
    %get3A_57 = vector.load %arg11[%get3A_55, %get3A_56] : memref<32x2xf32, #tpu.memory_space<vmem>>, vector<32x2xf32>
    %dot_general3A_58 = arith.constant dense<0.000000e+00> : vector<2000x2xf32>
    %dot_general3A_59 = tpu.matmul %max3A_54, %get3A_57, %dot_general3A_58 {dimension_numbers = #tpu.dot_dimension_numbers<[1], [0], [0], [1], [0, 0, 1, 1], [], []>, transpose_lhs_hint = false} : vector<2000x32xf32>, vector<32x2xf32>, vector<2000x2xf32> -> vector<2000x2xf32>
    %get3A_60 = arith.constant 0 : index
    %get3A_61 = arith.constant 0 : index
    %get3A_62 = vector.load %arg12[%get3A_60, %get3A_61] : memref<1x2xf32, #tpu.memory_space<vmem>>, vector<1x2xf32>
    %add3A_63 = vector.broadcast %get3A_62 : vector<1x2xf32> to vector<2000x2xf32>
    %add3A_64 = arith.addf %dot_general3A_59, %add3A_63 : vector<2000x2xf32>
    %swap3A = arith.constant 0 : index
    %swap3A_65 = arith.constant 0 : index
    %swap3A_66 = vector.load %arg13[%swap3A, %swap3A_65] : memref<2000x2xf32, #tpu.memory_space<vmem>>, vector<2000x2xf32>
    tpu.vector_store %arg13[%swap3A, %swap3A_65], %add3A_64 {strides = array<i32>} : memref<2000x2xf32, #tpu.memory_space<vmem>>, vector<2000x2xf32>,
    return
  }
  func.func @transform_0(%arg0: i32) -> (i32, i32) {
    %c0_i32 = arith.constant 0 : i32
    %c0_i32_0 = arith.constant 0 : i32
    return %arg0, %c0_i32 : i32, i32
  }
  func.func @transform_1(%arg0: i32) -> (i32, i32) {
    %c0_i32 = arith.constant 0 : i32
    %c0_i32_0 = arith.constant 0 : i32
    return %arg0, %c0_i32 : i32, i32
  }
  func.func @transform_2(%arg0: i32) -> (i32, i32) {
    %c0_i32 = arith.constant 0 : i32
    %c0_i32_0 = arith.constant 0 : i32
    return %arg0, %c0_i32 : i32, i32
  }
  func.func @transform_3(%arg0: i32) -> (i32, i32, i32) {
    %c0_i32 = arith.constant 0 : i32
    %c0_i32_0 = arith.constant 0 : i32
    %c0_i32_1 = arith.constant 0 : i32
    return %arg0, %c0_i32, %c0_i32_0 : i32, i32, i32
  }
  func.func @transform_4(%arg0: i32) -> (i32, i32) {
    %c0_i32 = arith.constant 0 : i32
    %c0_i32_0 = arith.constant 0 : i32
    return %arg0, %c0_i32 : i32, i32
  }
  func.func @transform_5(%arg0: i32) -> (i32, i32) {
    %c0_i32 = arith.constant 0 : i32
    %c0_i32_0 = arith.constant 0 : i32
    %c0_i32_1 = arith.constant 0 : i32
    return %c0_i32, %c0_i32_0 : i32, i32
  }
  func.func @transform_6(%arg0: i32) -> (i32, i32) {
    %c0_i32 = arith.constant 0 : i32
    %c0_i32_0 = arith.constant 0 : i32
    %c0_i32_1 = arith.constant 0 : i32
    return %c0_i32, %c0_i32_0 : i32, i32
  }
  func.func @transform_7(%arg0: i32) -> (i32, i32) {
    %c0_i32 = arith.constant 0 : i32
    %c0_i32_0 = arith.constant 0 : i32
    %c0_i32_1 = arith.constant 0 : i32
    return %c0_i32, %c0_i32_0 : i32, i32
  }
  func.func @transform_8(%arg0: i32) -> (i32, i32) {
    %c0_i32 = arith.constant 0 : i32
    %c0_i32_0 = arith.constant 0 : i32
    %c0_i32_1 = arith.constant 0 : i32
    return %c0_i32, %c0_i32_0 : i32, i32
  }
  func.func @transform_9(%arg0: i32) -> (i32, i32) {
    %c0_i32 = arith.constant 0 : i32
    %c0_i32_0 = arith.constant 0 : i32
    %c0_i32_1 = arith.constant 0 : i32
    return %c0_i32, %c0_i32_0 : i32, i32
  }
  func.func @transform_10(%arg0: i32) -> (i32, i32) {
    %c0_i32 = arith.constant 0 : i32
    %c0_i32_0 = arith.constant 0 : i32
    %c0_i32_1 = arith.constant 0 : i32
    return %c0_i32, %c0_i32_0 : i32, i32
  }
  func.func @transform_11(%arg0: i32) -> (i32, i32) {
    %c0_i32 = arith.constant 0 : i32
    %c0_i32_0 = arith.constant 0 : i32
    %c0_i32_1 = arith.constant 0 : i32
    return %c0_i32, %c0_i32_0 : i32, i32
  }
  func.func @transform_12(%arg0: i32) -> (i32, i32) {
    %c0_i32 = arith.constant 0 : i32
    %c0_i32_0 = arith.constant 0 : i32
    return %arg0, %c0_i32 : i32, i32
  }
}

</mosaic_0001>

<sc_bundles>
// kernel: kernel.6.cloned.1.call-start
scs
__scs_entry_jumppad:
0x0: {  	(pc) =	sbr.rel $0x88, $3  }
0x1: {  	(tag) =	ssettag $0x0;
	lr =	simm.s32 $0x1  }
0x2: {  	[smem:$0x3F97] =	sst lr;
	_ =	strace $0xD0000000  }
0x3: {  	_ = 	snop  }
0x4: {  	_ = 	snop  }
0x5: {  	_ = 	snop  }
0x6: {  	_ = 	snop  }
0x7: {  	_ = 	snop  }
__scs_overlays_trampoline_lowered:
0x8: {  	[smem:$0x3FA6] =	sst s0  }
0x9: {  	[smem:$0x3FA7] =	sst s1  }
0xa: {  	[smem:$0x3FA8] =	sst s2  }
0xb: {  	[smem:$0x3FA9] =	sst s3  }
0xc: {  	[smem:$0x3FAA] =	sst s4  }
0xd: {  	[smem:$0x3FAB] =	sst s5  }
0xe: {  	[smem:$0x3FAC] =	sst s6  }
0xf: {  	[smem:$0x3FAD] =	sst s7  }
0x10: {  	[smem:$0x3FAE] =	sst s8  }
0x11: {  	[smem:$0x3FAF] =	sst s9;
	s0 =	simm.s32 @!p0 $0x0  }
0x12: {  	s1 =	sld [smem:$0x3F95];
	s0 =	simm.s32 @p0 $0x1  }
0x13: {  	[smem:$0x3FB0] =	sst s0;
	s0 =	simm.s32 @!p1 $0x0  }
0x14: {  	s2 =	sld [smem:$0x3F94];
	s0 =	simm.s32 @p1 $0x1  }
0x15: {  	[smem:$0x3FB1] =	sst s0;
	s0 =	simm.s32 @!p2 $0x0  }
0x16: {  	s3 =	sld [smem:$0x3FDB];
	s0 =	simm.s32 @p2 $0x1  }
0x17: {  	s4 =	simm.s32 $0x1BF5;
	[smem:$0x3FB3] =	sst s0  }
0x18: {  	s0 =	sld [smem:$0x3F96];
	_ =	swait.ge [sflag:s4], $0x0  }
0x19: {  	s7 =	sld [smem:$0x3F97]  }
0x1a: {  	s8 =	sadd.s32 $0xFFFFE003, lr  }
0x1b: {  	s9 =	sadd.s32 $0xFFFFFEF7, lr;
	s5 =	simm.s32 $0xFFFFFFFF;
	p2 =	slt.u32 s8, $0xFFFFF086  }
0x1c: {  	p1 =	slt.u32 s9, $0xF7A;
	s5 =	simm.s32 @!p2 $0x0  }
0x1d: {  	s5 =	simm.s32 @p1 $0x1;
	p0 =	seq.s32 s7, s2  }
0x1e: {  	s7 =	smul.u32 @!p0 $0xF7A, s2;
	p2 =	seq.s32 @!p0 s5, $0x0  }
0x1f: {  	s9 =	smul.u32 $0xF7A, s1;
	s8 =	simm.s32 @!p0 $0x1BF5;
	p2 =	por !p2, p0  }
0x20: {  	[sflag:s8] =	ssyncset.s32 @!p0 $0xFFFFF086;
	s6 =	sadd.s32 @!p0 s3, s7;
	s7 =	simm.s32 @!p0 $0x108  }
0x21: {  	s3 =	sadd.s32 s3, s9;
	s6 =	sadd.s32 @!p0 $0x88, s6;
	s7 =	simm.s32 @p2 $0x1082  }
0x22: {  	[simem:s7], [sflag:s8] =	dma.local @!p0 [hbm:s6], $0xF7A  }
0x23: {  	s9 =	sor.u32 $0xD0000000, s2;
	s6 =	simm.s32 $0x108;
	_ =	swait.ge @!p0 [sflag:s8], $0x0  }
0x24: {  	s3 =	sadd.s32 $0x88, s3;
	s6 =	simm.s32 @!p1 $0x1082;
	[sflag:s4] =	ssyncset.s32 $0xFFFFF086  }
0x25: {  	[simem:s6], [sflag:s4] =	dma.local [hbm:s3], $0xF7A  }
0x26: {  	[smem:$0x3F97] =	sst s1;
	(tag) =	ssettag s2;
	_ =	strace s9  }
0x27: {  	s1 =	sld [smem:$0x3FA7]  }
0x28: {  	s2 =	sld [smem:$0x3FA8]  }
0x29: {  	s4 =	sld [smem:$0x3FAA]  }
0x2a: {  	p0 =	seq.s32 s5, $0x0;
	s5 =	sld [smem:$0x3FAB]  }
0x2b: {  	s6 =	sld [smem:$0x3FAC]  }
0x2c: {  	s7 =	sld [smem:$0x3FAD]  }
0x2d: {  	s3 =	simm.s32 $0x108;
	s8 =	sld [smem:$0x3FAE]  }
0x2e: {  	s3 =	simm.s32 @!p0 $0x1082;
	s9 =	sld [smem:$0x3FAF]  }
0x2f: {  	lr =	sadd.s32 s0, s3;
	s0 =	sld [smem:$0x3FA6]  }
0x30: {  	s3 =	sld [smem:$0x3FA9]  }
0x31: {  	[smem:$0x3FB2] =	sst s10  }
0x32: {  	s10 =	sld [smem:$0x3FB0];
	_ =	sdelay $0x3  }
0x33: {  	p0 =	seq.s32 s10, $0x1;
	s10 =	sld [smem:$0x3FB2];
	_ =	sdelay $0x3  }
0x34: {  	[smem:$0x3FB2] =	sst s10  }
0x35: {  	s10 =	sld [smem:$0x3FB1];
	_ =	sdelay $0x3  }
0x36: {  	p1 =	seq.s32 s10, $0x1;
	s10 =	sld [smem:$0x3FB2];
	_ =	sdelay $0x3  }
0x37: {  	[smem:$0x3FB2] =	sst s10  }
0x38: {  	s10 =	sld [smem:$0x3FB3]  }
0x39: {  	_ = 	snop;
	(pc) =	sbr.ind lr, $3  }
0x3a: {  	_ = 	snop  }
0x3b: {  	_ = 	snop  }
0x3c: {  	p2 =	seq.s32 s10, $0x1;
	s10 =	sld [smem:$0x3FB2]  }
0x3d: {  	_ =	shalt  }
0x3e: {  	_ =	shalt  }
0x3f: {  	_ =	shalt  }
0x40: {  	_ =	shalt  }
0x41: {  	_ =	shalt  }
0x42: {  	_ =	shalt  }
0x43: {  	_ =	shalt  }
0x44: {  	_ =	shalt  }
0x45: {  	_ =	shalt  }
0x46: {  	_ =	shalt  }
0x47: {  	_ =	shalt  }
0x48: {  	_ =	shalt  }
0x49: {  	_ =	shalt  }
0x4a: {  	_ =	shalt  }
0x4b: {  	_ =	shalt  }
0x4c: {  	_ =	shalt  }
0x4d: {  	_ =	shalt  }
0x4e: {  	_ =	shalt  }
0x4f: {  	_ =	shalt  }
0x50: {  	_ =	shalt  }
0x51: {  	_ =	shalt  }
0x52: {  	_ =	shalt  }
0x53: {  	_ =	shalt  }
0x54: {  	_ =	shalt  }
0x55: {  	_ =	shalt  }
0x56: {  	_ =	shalt  }
0x57: {  	_ =	shalt  }
0x58: {  	_ =	shalt  }
0x59: {  	_ =	shalt  }
0x5a: {  	_ =	shalt  }
0x5b: {  	_ =	shalt  }
0x5c: {  	_ =	shalt  }
0x5d: {  	_ =	shalt  }
0x5e: {  	_ =	shalt  }
0x5f: {  	_ =	shalt  }
0x60: {  	_ =	shalt  }
0x61: {  	_ =	shalt  }
0x62: {  	_ =	shalt  }
0x63: {  	_ =	shalt  }
0x64: {  	_ =	shalt  }
0x65: {  	_ =	shalt  }
0x66: {  	_ =	shalt  }
0x67: {  	_ =	shalt  }
0x68: {  	_ =	shalt  }
0x69: {  	_ =	shalt  }
0x6a: {  	_ =	shalt  }
0x6b: {  	_ =	shalt  }
0x6c: {  	_ =	shalt  }
0x6d: {  	_ =	shalt  }
0x6e: {  	_ =	shalt  }
0x6f: {  	_ =	shalt  }
0x70: {  	_ =	shalt  }
0x71: {  	_ =	shalt  }
0x72: {  	_ =	shalt  }
0x73: {  	_ =	shalt  }
0x74: {  	_ =	shalt  }
0x75: {  	_ =	shalt  }
0x76: {  	_ =	shalt  }
0x77: {  	_ =	shalt  }
0x78: {  	_ =	shalt  }
0x79: {  	_ =	shalt  }
0x7a: {  	_ =	shalt  }
0x7b: {  	_ =	shalt  }
0x7c: {  	_ =	shalt  }
0x7d: {  	_ =	shalt  }
0x7e: {  	_ =	shalt  }
0x7f: {  	_ =	shalt  }
0x80: {  	_ =	shalt  }
0x81: {  	_ =	shalt  }
0x82: {  	_ =	shalt  }
0x83: {  	_ =	shalt  }
0x84: {  	_ =	shalt  }
0x85: {  	_ =	shalt  }
0x86: {  	_ =	shalt  }
0x87: {  	_ =	shalt  }
.Lfunc_end0:
.L_simem_size_0:
called_computation_lowered:
.L_overlay_start_0:
0x88: {  	s2 =	sld [smem:$0x3FD9]  }
0x89: {  	s3 =	sld [smem:$0x3FFE];
	_ =	sdelay $0x1  }
0x8a: {  	s1 =	srdreg.scid  }
0x8b: {  	s0 =	sand.u32 $0x1, s1  }
0x8c: {  	s16 =	sshll.u32 s0, $0xA;
	s2 =	sadd.s32 s3, s2  }
0x8d: {  	s2 =	sadd.s32 s2, s16  }
0x8e: {  	[smem:$0x3FBE] =	sst s2  }
0x8f: {  	_ = 	snop  }
0x90: {  	(tm) =	ssettm $0x1  }
0x91: {  	s17 =	sld [smem:$0x3FFB];
	_ =	sdelay $0x3  }
0x92: {  	_ =	strace s17  }
0x93: {  	s2 =	sld [smem:$0x3FFC];
	_ =	sdelay $0x3  }
0x94: {  	_ =	strace s2  }
0x95: {  	s2 =	sld [smem:$0x3FFD];
	_ =	sdelay $0x3  }
0x96: {  	_ =	strace s2  }
0x97: {  	_ =	strace $0x8FFFFFFF  }
0x98: {  	s18 =	sld [smem:$0x3FDB];
	_ =	sdelay $0x1  }
0x99: {  	s19 =	simm.s32 $_scs_section_size  }
0x9a: {  	s4 =	simm.s32 $_size__tile_overlayer_lowered;
	s5 =	simm.s32 $_tile_overlayer_lowered  }
0x9b: {  	s22 =	simm.s32 $0x1BFF;
	s21 =	sshll.u32 s5, $0x1;
	s2 =	sadd.s32 s19, s18  }
0x9c: {  	s6 =	simm.s32 $0x0;
	s20 =	sshll.u32 s4, $0x1;
	s4 =	sadd.s32 s21, s2  }
0x9d: {  	[timem:s6], [sflag:s22] =	dma.local [hbm:s4], s20  }
0x9e: {  	_ =	swait.ge [sflag:s22], s20  }
0x9f: {  	s3 =	ssub.s32 $0x0, s20;
	[sflag:s22] =	ssyncset.done $0x0  }
0xa0: {  	[sflag:s22] =	ssyncadd.s32 s3;
	_ =	sdelay $0x1  }
0xa1: {  	s23 =	simm.s32 $0x1B8B  }
0xa2: {  	_ =	swait.ge [sflag:s23], $0x1  }
0xa3: {  	[sflag:s23] =	ssyncset.done $0x0  }
0xa4: {  	s25 =	simm.s32 $0x1B8E;
	s24 =	sld [smem:$0x3FFE];
	[sflag:s23] =	ssyncadd.s32 $0xFFFFFFFF  }
0xa5: {  	s26 =	simm.s32 $execute0_lowered;
	[smem:$0x3FD2] =	sst s25  }
0xa6: {  	s4 =	sshll.u32 s26, $0x1;
	_ =	strace $0x80000046;
	[dreg:$0x1] =	wrdreg $0xFFFFFFFF  }
0xa7: {  	s28 =	simm.s32 $_size_execute0_lowered;
	s2 =	sadd.s32 s2, s4;
	[dreg:$0x0] =	wrdreg $0x0  }
0xa8: {  	s4 =	sshll.u32 s28, $0x1;
	[dreg:$0x2] =	wrdreg s2  }
0xa9: {  	[dreg:$0x3] =	wrdreg s4  }
0xaa: {  	[dreg:$0x4] =	wrdreg $0xC0  }
0xab: {  	_ =	task [dreg:s6], $0x5FFFF  }
0xac: {  	[dreg:$0x1] =	wrdreg $0xFFFFFFFF  }
0xad: {  	[dreg:$0x0] =	wrdreg $0x60  }
0xae: {  	[dreg:$0x2] =	wrdreg s24  }
0xaf: {  	[dreg:$0x3] =	wrdreg $0x9  }
0xb0: {  	_ =	task.clear_ibuf [dreg:s6], $0x4FFFF;
	_ =	strace $0x90000046  }
0xb1: {  	s29 =	simm.s32 $0x9;
	_ =	strace $0x80000048  }
0xb2: {  	_ =	swait.ge [sflag:s29], $0x1  }
0xb3: {  	[sflag:s29] =	ssyncadd.s32 $0xFFFFFFFF  }
0xb4: {  	_ =	strace $0x90000048  }
0xb5: {  	_ =	sfence  }
0xb6: {  	s30 =	sld [smem:$0x0];
	_ =	sdelay $0x2  }
0xb7: {  	s31 =	sshll.u32 s1, $0xD;
	s1 =	sshrl.u32 s1, $0x2  }
0xb8: {  	s3 =	sand.u32 $0x4000, s31;
	s1 =	sadd.s32 s1, s30  }
0xb9: {  	s0 =	sor.u32 s3, s0;
	s1 =	sshll.u32 s1, $0x11  }
0xba: {  	s0 =	sor.u32 s1, s0  }
0xbb: {  	s0 =	sadd.s32 $0x8F2B, s0  }
0xbc: {  	[sflag:s0] =	ssyncadd.remote.s32 $0x1  }
0xbd: {  	_ =	sfence.sel $0xFFFF  }
0xbe: {  	[dreg:$0x0] =	wrdreg $0xFFFFFFFF;
	(pc) =	sbr.abs _section_cstart, $3  }
0xbf: {  	[dreg:$0x1] =	wrdreg $0xFFFFFFFF  }
0xc0: {  	_ =	task.clear_ibuf [dreg:s6], $0x2FFFF;
	_ =	strace $0x9FFFFFFF  }
0xc1: {  	(tm) =	ssettm $0x7FFFFFFF  }
tec
execute0_lowered:
.L_overlay_start_1:
0x0: {  	(tag) =	ssettag $0x1  }
0x1: {  	s1 =	srdreg.scid;
	s0 =	stileid.u32  }
0x2: {  	s5 =	rddreg [dreg:$0x0];
	s2 =	simm.s32 $0x0;
	s9 =	simm.s32 $0x80  }
0x3: {  	s10 =	simm.s32 $0x400;
	s11 =	simm.s32 $0x0;
	s3 =	sand.u32 $0x1, s1  }
0x4: {  	s25 =	sshll.u32 s0, $0x1;
	s26 =	sshrl.u32 s0, $0x2;
	s1 =	rddreg [dreg:$0x1]  }
0x5: {  	[smem:$0x7FF] =	sst s2;
	s4 =	sor.u32 s3, s25;
	s6 =	smul.u32 $0x13C00, s26  }
0x6: {  	s3 =	ssub.s32 $0x2, s3;
	s7 =	sshll.u32 s4, $0x7;
	s28 =	smul.u32 $0x2800, s4  }
0x7: {  	s8 =	smul.u32 $0xFFFFFFB0, s4;
	s30 =	sshrl.u32 s3, $0x1;
	s7 =	sand.u32 $0x380, s7  }
0x8: {  	_ =	strace $0x80000047;
	s31 =	ssub.s32 s3, s30;
	s6 =	sor.u32 s6, s7  }
0x9: {  	s29 =	sshrl.u32 s28, $0x3;
	p0 =	slt.s32 s8, $0xFFFFF68C;
	s7 =	simm.s32 $0x1  }
0xa: {  	s6 =	sshrl.u32 s6, $0x3;
	s4 =	sadd.s32 s5, s29;
	s8 =	simm.s32 @!p0 $0xFFFFF68C  }
0xb: {  	s6 =	sadd.s32 s6, s5;
	s3 =	sadd.s32 $0xCA00, s4;
	s5 =	smax.u32 s31, $0x1  }
0xc: {  	v0 =	vimm.f32 $0.0e+00;
	v1 =	vimm.f32 $1.000000000e+00;
	s4 =	sadd.s32 $0x16A00, s6;
	s6 =	sadd.s32 $0x9C3, s8;
	s8 =	simm.s32 $0x2800  }
.LBB2_1:
0xd: {  	s12 =	simm.s32 $0x40;
	s13 =	simm.s32 $0x0  }
.LBB2_2:
0xe: {  	p0 =	sne.s32 s12, $0x9DC0;
	[tilespmem:s13+$0x2800] =	vst v0;
	s13 =	smov.u32 s12;
	s12 =	sadd.s32 $0x40, s12  }
.Ltmp0:
0xf: {  	(pc) =	sbr.rel @p0 .LBB2_2-.Ltmp0, $2  }
0x10: {  	_ =	sdelay $0x2  }
0x11: {  	s13 =	sshra.s32 s13, $0x2  }
0x12: {  	[tilespmem:s13+$0x2800] =	vst v0  }
0x13: {  	[tilespmem:s2], [sflag:$0x1] =	stream.linear.gather [hbm4b:s3+s2], $0x2800, $0x38;
	[tilespmem:$0x4F80] =	vst v63  }
0x14: {  	_ =	swait.ge [sflag:s7], $0x2800  }
0x15: {  	[sflag:s7] =	ssyncset.done $0x0  }
0x16: {  	s12 =	simm.s32 $0xFFFFFFFF;
	s13 =	simm.s32 $0x40;
	[sflag:s7] =	ssyncadd.s32 $0xFFFFD800  }
.LBB2_4:
0x17: {  	v2 =	vld [tilespmem:s13+$0xFFFFFFC0];
	_ =	sdelay $0x7  }
0x18: {  	[tilespmem:v2+s8+$0x0] =	vst.idx.add.f32.msk $0xffff, v1  }
0x19: {  	v2 =	vld [tilespmem:s13+$0xFFFFFFD0];
	_ =	sdelay $0x7  }
0x1a: {  	[tilespmem:v2+s8+$0x0] =	vst.idx.add.f32.msk $0xffff, v1  }
0x1b: {  	v2 =	vld [tilespmem:s13+$0xFFFFFFE0];
	_ =	sdelay $0x7  }
0x1c: {  	[tilespmem:v2+s8+$0x0] =	vst.idx.add.f32.msk $0xffff, v1  }
0x1d: {  	v2 =	vld [tilespmem:s13+$0xFFFFFFF0];
	_ =	sdelay $0x7  }
0x1e: {  	[tilespmem:v2+s8+$0x0] =	vst.idx.add.f32.msk $0xffff, v1  }
0x1f: {  	v2 =	vld [tilespmem:s13+$0x0];
	_ =	sdelay $0x7  }
0x20: {  	[tilespmem:v2+s8+$0x0] =	vst.idx.add.f32.msk $0xffff, v1  }
0x21: {  	v2 =	vld [tilespmem:s13+$0x10];
	_ =	sdelay $0x7  }
0x22: {  	[tilespmem:v2+s8+$0x0] =	vst.idx.add.f32.msk $0xffff, v1  }
0x23: {  	v2 =	vld [tilespmem:s13+$0x20];
	_ =	sdelay $0x7  }
0x24: {  	[tilespmem:v2+s8+$0x0] =	vst.idx.add.f32.msk $0xffff, v1  }
0x25: {  	v2 =	vld [tilespmem:s13+$0x30];
	_ =	sdelay $0x1  }
0x26: {  	s12 =	sadd.s32 $0x1, s12  }
0x27: {  	p0 =	slt.u32 s12, s6  }
.Ltmp1:
0x28: {  	_ = 	snop;
	(pc) =	sbr.rel @p0 .LBB2_4-.Ltmp1, $2  }
0x29: {  	_ =	sdelay $0x2  }
0x2a: {  	s13 =	sadd.s32 $0x80, s13;
	[tilespmem:v2+s8+$0x0] =	vst.idx.add.f32.msk $0xffff, v1  }
0x2b: {  	s11 =	sadd.s32 $0x1, s11  }
0x2c: {  	p0 =	sne.s32 s11, s5  }
.Ltmp2:
0x2d: {  	_ = 	snop;
	(pc) =	sbr.rel @p0 .LBB2_1-.Ltmp2, $4  }
0x2e: {  	[hbm4b:s4+s9] =	stream.strided.scatter [tilespmem:s8], [sflag:$0x1], $0x2780, s10, s9, $0x38;
	[tilespmem:$0x4F80] =	vst v63  }
0x2f: {  	_ =	swait.ge [sflag:s7], $0x2780  }
0x30: {  	[sflag:s7] =	ssyncset.done $0x0  }
0x31: {  	[sflag:s7] =	ssyncadd.s32 $0xFFFFD880  }
0x32: {  	_ =	sfence.sel $0x180000  }
0x33: {  	[bflag:$0x0] =	sbarrier.arrive $0xFFFF  }
0x34: {  	p0 =	sne.s32 s0, $0x0;
	_ =	strace $0x90000047  }
0x35: {  	s0 =	sadd.s32 @!p0 $0x100000, s1;
	[bflag:$0x2] =	sbarrier.arrive $0xFFFF  }
0x36: {  	[sflag:s0] =	ssyncadd.tile.s32 @!p0 $0x1;
	_ =	shalt  }
.Lfunc_end2:
_tile_overlayer_lowered:
.L_overlay_start_2:
0x37: {  	(tag) =	ssettag $0x2  }
0x38: {  	s0 =	rddreg [dreg:$0x0];
	s2 =	stileid.u32  }
0x39: {  	s1 =	rddreg [dreg:$0x1];
	p0 =	sne.s32 s2, $0x0  }
0x3a: {  	s3 =	rddreg [dreg:$0x2];
	[bflag:$0x3] =	sbarrier.arrive $0xFFFF;
	s2 =	simm.s32 @!p0 $0x1C01  }
0x3b: {  	[timem:s3], [sflag:s2] =	dma.local @!p0 [hbm:s0], s1  }
0x3c: {  	s0 =	simm.s32 @!p0 $0x1  }
0x3d: {  	_ =	swait.ge @!p0 [sflag:s0], s1  }
0x3e: {  	s1 =	ssub.s32 @!p0 $0x0, s1;
	[sflag:s0] =	ssyncset.done @!p0 $0x0  }
0x3f: {  	[sflag:s0] =	ssyncadd.s32 @!p0 s1  }
0x40: {  	[bflag:$0x3] =	sbarrier.arrive $0xFFFF  }
0x41: {  	_ =	shalt  }

// kernel: kernel.9.cloned.1.call-start
scs
__scs_entry_jumppad:
0x0: {  	(pc) =	sbr.rel $0x88, $3  }
0x1: {  	(tag) =	ssettag $0x0;
	lr =	simm.s32 $0x1  }
0x2: {  	[smem:$0x3F97] =	sst lr;
	_ =	strace $0xD0000000  }
0x3: {  	_ = 	snop  }
0x4: {  	_ = 	snop  }
0x5: {  	_ = 	snop  }
0x6: {  	_ = 	snop  }
0x7: {  	_ = 	snop  }
__scs_overlays_trampoline_lowered:
0x8: {  	[smem:$0x3FA6] =	sst s0  }
0x9: {  	[smem:$0x3FA7] =	sst s1  }
0xa: {  	[smem:$0x3FA8] =	sst s2  }
0xb: {  	[smem:$0x3FA9] =	sst s3  }
0xc: {  	[smem:$0x3FAA] =	sst s4  }
0xd: {  	[smem:$0x3FAB] =	sst s5  }
0xe: {  	[smem:$0x3FAC] =	sst s6  }
0xf: {  	[smem:$0x3FAD] =	sst s7  }
0x10: {  	[smem:$0x3FAE] =	sst s8  }
0x11: {  	[smem:$0x3FAF] =	sst s9;
	s0 =	simm.s32 @!p0 $0x0  }
0x12: {  	s1 =	sld [smem:$0x3F95];
	s0 =	simm.s32 @p0 $0x1  }
0x13: {  	[smem:$0x3FB0] =	sst s0;
	s0 =	simm.s32 @!p1 $0x0  }
0x14: {  	s2 =	sld [smem:$0x3F94];
	s0 =	simm.s32 @p1 $0x1  }
0x15: {  	[smem:$0x3FB1] =	sst s0;
	s0 =	simm.s32 @!p2 $0x0  }
0x16: {  	s3 =	sld [smem:$0x3FDB];
	s0 =	simm.s32 @p2 $0x1  }
0x17: {  	s4 =	simm.s32 $0x1BF5;
	[smem:$0x3FB3] =	sst s0  }
0x18: {  	s0 =	sld [smem:$0x3F96];
	_ =	swait.ge [sflag:s4], $0x0  }
0x19: {  	s7 =	sld [smem:$0x3F97]  }
0x1a: {  	s8 =	sadd.s32 $0xFFFFE003, lr  }
0x1b: {  	s9 =	sadd.s32 $0xFFFFFEF7, lr;
	s5 =	simm.s32 $0xFFFFFFFF;
	p2 =	slt.u32 s8, $0xFFFFF086  }
0x1c: {  	p1 =	slt.u32 s9, $0xF7A;
	s5 =	simm.s32 @!p2 $0x0  }
0x1d: {  	s5 =	simm.s32 @p1 $0x1;
	p0 =	seq.s32 s7, s2  }
0x1e: {  	s7 =	smul.u32 @!p0 $0xF7A, s2;
	p2 =	seq.s32 @!p0 s5, $0x0  }
0x1f: {  	s9 =	smul.u32 $0xF7A, s1;
	s8 =	simm.s32 @!p0 $0x1BF5;
	p2 =	por !p2, p0  }
0x20: {  	[sflag:s8] =	ssyncset.s32 @!p0 $0xFFFFF086;
	s6 =	sadd.s32 @!p0 s3, s7;
	s7 =	simm.s32 @!p0 $0x108  }
0x21: {  	s3 =	sadd.s32 s3, s9;
	s6 =	sadd.s32 @!p0 $0x88, s6;
	s7 =	simm.s32 @p2 $0x1082  }
0x22: {  	[simem:s7], [sflag:s8] =	dma.local @!p0 [hbm:s6], $0xF7A  }
0x23: {  	s9 =	sor.u32 $0xD0000000, s2;
	s6 =	simm.s32 $0x108;
	_ =	swait.ge @!p0 [sflag:s8], $0x0  }
0x24: {  	s3 =	sadd.s32 $0x88, s3;
	s6 =	simm.s32 @!p1 $0x1082;
	[sflag:s4] =	ssyncset.s32 $0xFFFFF086  }
0x25: {  	[simem:s6], [sflag:s4] =	dma.local [hbm:s3], $0xF7A  }
0x26: {  	[smem:$0x3F97] =	sst s1;
	(tag) =	ssettag s2;
	_ =	strace s9  }
0x27: {  	s1 =	sld [smem:$0x3FA7]  }
0x28: {  	s2 =	sld [smem:$0x3FA8]  }
0x29: {  	s4 =	sld [smem:$0x3FAA]  }
0x2a: {  	p0 =	seq.s32 s5, $0x0;
	s5 =	sld [smem:$0x3FAB]  }
0x2b: {  	s6 =	sld [smem:$0x3FAC]  }
0x2c: {  	s7 =	sld [smem:$0x3FAD]  }
0x2d: {  	s3 =	simm.s32 $0x108;
	s8 =	sld [smem:$0x3FAE]  }
0x2e: {  	s3 =	simm.s32 @!p0 $0x1082;
	s9 =	sld [smem:$0x3FAF]  }
0x2f: {  	lr =	sadd.s32 s0, s3;
	s0 =	sld [smem:$0x3FA6]  }
0x30: {  	s3 =	sld [smem:$0x3FA9]  }
0x31: {  	[smem:$0x3FB2] =	sst s10  }
0x32: {  	s10 =	sld [smem:$0x3FB0];
	_ =	sdelay $0x3  }
0x33: {  	p0 =	seq.s32 s10, $0x1;
	s10 =	sld [smem:$0x3FB2];
	_ =	sdelay $0x3  }
0x34: {  	[smem:$0x3FB2] =	sst s10  }
0x35: {  	s10 =	sld [smem:$0x3FB1];
	_ =	sdelay $0x3  }
0x36: {  	p1 =	seq.s32 s10, $0x1;
	s10 =	sld [smem:$0x3FB2];
	_ =	sdelay $0x3  }
0x37: {  	[smem:$0x3FB2] =	sst s10  }
0x38: {  	s10 =	sld [smem:$0x3FB3]  }
0x39: {  	_ = 	snop;
	(pc) =	sbr.ind lr, $3  }
0x3a: {  	_ = 	snop  }
0x3b: {  	_ = 	snop  }
0x3c: {  	p2 =	seq.s32 s10, $0x1;
	s10 =	sld [smem:$0x3FB2]  }
0x3d: {  	_ =	shalt  }
0x3e: {  	_ =	shalt  }
0x3f: {  	_ =	shalt  }
0x40: {  	_ =	shalt  }
0x41: {  	_ =	shalt  }
0x42: {  	_ =	shalt  }
0x43: {  	_ =	shalt  }
0x44: {  	_ =	shalt  }
0x45: {  	_ =	shalt  }
0x46: {  	_ =	shalt  }
0x47: {  	_ =	shalt  }
0x48: {  	_ =	shalt  }
0x49: {  	_ =	shalt  }
0x4a: {  	_ =	shalt  }
0x4b: {  	_ =	shalt  }
0x4c: {  	_ =	shalt  }
0x4d: {  	_ =	shalt  }
0x4e: {  	_ =	shalt  }
0x4f: {  	_ =	shalt  }
0x50: {  	_ =	shalt  }
0x51: {  	_ =	shalt  }
0x52: {  	_ =	shalt  }
0x53: {  	_ =	shalt  }
0x54: {  	_ =	shalt  }
0x55: {  	_ =	shalt  }
0x56: {  	_ =	shalt  }
0x57: {  	_ =	shalt  }
0x58: {  	_ =	shalt  }
0x59: {  	_ =	shalt  }
0x5a: {  	_ =	shalt  }
0x5b: {  	_ =	shalt  }
0x5c: {  	_ =	shalt  }
0x5d: {  	_ =	shalt  }
0x5e: {  	_ =	shalt  }
0x5f: {  	_ =	shalt  }
0x60: {  	_ =	shalt  }
0x61: {  	_ =	shalt  }
0x62: {  	_ =	shalt  }
0x63: {  	_ =	shalt  }
0x64: {  	_ =	shalt  }
0x65: {  	_ =	shalt  }
0x66: {  	_ =	shalt  }
0x67: {  	_ =	shalt  }
0x68: {  	_ =	shalt  }
0x69: {  	_ =	shalt  }
0x6a: {  	_ =	shalt  }
0x6b: {  	_ =	shalt  }
0x6c: {  	_ =	shalt  }
0x6d: {  	_ =	shalt  }
0x6e: {  	_ =	shalt  }
0x6f: {  	_ =	shalt  }
0x70: {  	_ =	shalt  }
0x71: {  	_ =	shalt  }
0x72: {  	_ =	shalt  }
0x73: {  	_ =	shalt  }
0x74: {  	_ =	shalt  }
0x75: {  	_ =	shalt  }
0x76: {  	_ =	shalt  }
0x77: {  	_ =	shalt  }
0x78: {  	_ =	shalt  }
0x79: {  	_ =	shalt  }
0x7a: {  	_ =	shalt  }
0x7b: {  	_ =	shalt  }
0x7c: {  	_ =	shalt  }
0x7d: {  	_ =	shalt  }
0x7e: {  	_ =	shalt  }
0x7f: {  	_ =	shalt  }
0x80: {  	_ =	shalt  }
0x81: {  	_ =	shalt  }
0x82: {  	_ =	shalt  }
0x83: {  	_ =	shalt  }
0x84: {  	_ =	shalt  }
0x85: {  	_ =	shalt  }
0x86: {  	_ =	shalt  }
0x87: {  	_ =	shalt  }
.Lfunc_end0:
.L_simem_size_0:
called_computation.1_lowered:
.L_overlay_start_0:
0x88: {  	s2 =	sld [smem:$0x3FD9]  }
0x89: {  	s3 =	sld [smem:$0x3FFE];
	_ =	sdelay $0x1  }
0x8a: {  	s1 =	srdreg.scid  }
0x8b: {  	s0 =	sand.u32 $0x1, s1  }
0x8c: {  	s16 =	sshll.u32 s0, $0xA;
	s2 =	sadd.s32 s3, s2  }
0x8d: {  	s2 =	sadd.s32 s2, s16  }
0x8e: {  	[smem:$0x3FBE] =	sst s2  }
0x8f: {  	_ = 	snop  }
0x90: {  	(tm) =	ssettm $0x1  }
0x91: {  	s17 =	sld [smem:$0x3FFB];
	_ =	sdelay $0x3  }
0x92: {  	_ =	strace s17  }
0x93: {  	s2 =	sld [smem:$0x3FFC];
	_ =	sdelay $0x3  }
0x94: {  	_ =	strace s2  }
0x95: {  	s2 =	sld [smem:$0x3FFD];
	_ =	sdelay $0x3  }
0x96: {  	_ =	strace s2  }
0x97: {  	_ =	strace $0x8FFFFFFF  }
0x98: {  	s18 =	sld [smem:$0x3FDB];
	_ =	sdelay $0x1  }
0x99: {  	s19 =	simm.s32 $_scs_section_size  }
0x9a: {  	s4 =	simm.s32 $_size__tile_overlayer_lowered;
	s5 =	simm.s32 $_tile_overlayer_lowered  }
0x9b: {  	s22 =	simm.s32 $0x1BFF;
	s21 =	sshll.u32 s5, $0x1;
	s2 =	sadd.s32 s19, s18  }
0x9c: {  	s6 =	simm.s32 $0x0;
	s20 =	sshll.u32 s4, $0x1;
	s4 =	sadd.s32 s21, s2  }
0x9d: {  	[timem:s6], [sflag:s22] =	dma.local [hbm:s4], s20  }
0x9e: {  	_ =	swait.ge [sflag:s22], s20  }
0x9f: {  	s3 =	ssub.s32 $0x0, s20;
	[sflag:s22] =	ssyncset.done $0x0  }
0xa0: {  	[sflag:s22] =	ssyncadd.s32 s3;
	_ =	sdelay $0x1  }
0xa1: {  	s23 =	simm.s32 $0x1B8B  }
0xa2: {  	_ =	swait.ge [sflag:s23], $0x1  }
0xa3: {  	[sflag:s23] =	ssyncset.done $0x0  }
0xa4: {  	s25 =	simm.s32 $0x1B8E;
	s24 =	sld [smem:$0x3FFE];
	[sflag:s23] =	ssyncadd.s32 $0xFFFFFFFF  }
0xa5: {  	s26 =	simm.s32 $execute0_lowered;
	[smem:$0x3FD2] =	sst s25  }
0xa6: {  	s4 =	sshll.u32 s26, $0x1;
	_ =	strace $0x80000049;
	[dreg:$0x1] =	wrdreg $0xFFFFFFFF  }
0xa7: {  	s28 =	simm.s32 $_size_execute0_lowered;
	s2 =	sadd.s32 s2, s4;
	[dreg:$0x0] =	wrdreg $0x0  }
0xa8: {  	s4 =	sshll.u32 s28, $0x1;
	[dreg:$0x2] =	wrdreg s2  }
0xa9: {  	[dreg:$0x3] =	wrdreg s4  }
0xaa: {  	[dreg:$0x4] =	wrdreg $0xC0  }
0xab: {  	_ =	task [dreg:s6], $0x5FFFF  }
0xac: {  	[dreg:$0x1] =	wrdreg $0xFFFFFFFF  }
0xad: {  	[dreg:$0x0] =	wrdreg $0x60  }
0xae: {  	[dreg:$0x2] =	wrdreg s24  }
0xaf: {  	[dreg:$0x3] =	wrdreg $0xAC000  }
0xb0: {  	[dreg:$0x4] =	wrdreg $0x9  }
0xb1: {  	_ =	task.clear_ibuf [dreg:s6], $0x5FFFF;
	_ =	strace $0x90000049  }
0xb2: {  	s29 =	simm.s32 $0x9;
	_ =	strace $0x8000004B  }
0xb3: {  	_ =	swait.ge [sflag:s29], $0x1  }
0xb4: {  	[sflag:s29] =	ssyncadd.s32 $0xFFFFFFFF  }
0xb5: {  	_ =	strace $0x9000004B  }
0xb6: {  	_ =	sfence  }
0xb7: {  	s30 =	sld [smem:$0x0];
	_ =	sdelay $0x2  }
0xb8: {  	s31 =	sshll.u32 s1, $0xD;
	s1 =	sshrl.u32 s1, $0x2  }
0xb9: {  	s3 =	sand.u32 $0x4000, s31;
	s1 =	sadd.s32 s1, s30  }
0xba: {  	s0 =	sor.u32 s3, s0;
	s1 =	sshll.u32 s1, $0x11  }
0xbb: {  	s0 =	sor.u32 s1, s0  }
0xbc: {  	s0 =	sadd.s32 $0x8F2B, s0  }
0xbd: {  	[sflag:s0] =	ssyncadd.remote.s32 $0x1  }
0xbe: {  	_ =	sfence.sel $0xFFFF  }
0xbf: {  	[dreg:$0x0] =	wrdreg $0xFFFFFFFF;
	(pc) =	sbr.abs _section_cstart, $3  }
0xc0: {  	[dreg:$0x1] =	wrdreg $0xFFFFFFFF  }
0xc1: {  	_ =	task.clear_ibuf [dreg:s6], $0x2FFFF;
	_ =	strace $0x9FFFFFFF  }
0xc2: {  	(tm) =	ssettm $0x7FFFFFFF  }
0xc3: {  	_ =	shalt  }
tec
execute0_lowered:
.L_overlay_start_1:
0x0: {  	(tag) =	ssettag $0x1  }
0x1: {  	s16 =	rddreg [dreg:$0x0]  }
0x2: {  	s1 =	rddreg [dreg:$0x1]  }
0x3: {  	s3 =	simm.s32 $0x0;
	s4 =	srdreg.scid;
	s0 =	stileid.u32  }
0x4: {  	s18 =	simm.s32 $0x65400;
	s21 =	simm.s32 $0x80;
	s7 =	smul.u32 $0x4F000, s0  }
0x5: {  	[smem:$0x7FF] =	sst s3;
	s13 =	sand.u32 $0x1, s4;
	s14 =	smul.u32 $0xFFFFFF60, s0  }
0x6: {  	s5 =	sshll.u32 s0, $0x1;
	s4 =	sadd.s32 $0x16A00, s16;
	s19 =	smul.u32 $0x2780, s0  }
0x7: {  	_ =	strace $0x8000004A;
	s10 =	sor.u32 s13, s5;
	s5 =	sadd.s32 $0x2A00, s16  }
0x8: {  	s8 =	ssub.s32 $0x2, s13;
	s12 =	smul.u32 $0xFFFFFFB0, s13;
	p0 =	seq.s32 s13, $0x1  }
0x9: {  	s6 =	smul.u32 $0x50, s10;
	s9 =	sshrl.u32 s8, $0x1;
	s7 =	sshrl.u32 s7, $0x2  }
0xa: {  	s15 =	smul.u32 $0x500, s10;
	s18 =	simm.s32 @!p0 $0x3DC00;
	s17 =	ssub.s32 s8, s9  }
0xb: {  	s7 =	sadd.s32 s7, s1;
	s14 =	sadd.s32 s14, s12;
	s18 =	sadd.s32 s18, s16  }
0xc: {  	s2 =	sadd.s32 $0x4000, s7;
	s9 =	sadd.s32 $0x8000, s7;
	s10 =	sadd.s32 $0xC000, s7  }
.Ltmp0:
0xd: {  	s11 =	sadd.s32 $0x10000, s7;
	s12 =	sadd.s32 s5, s15;
	(pc) =	sbr.rel .LBB2_1-.Ltmp0, $4  }
0xe: {  	s31 =	ssub.s32 $0x9C4, s6;
	s14 =	sadd.s32 $0x9C4, s14;
	s16 =	smax.u32 s17, $0x1  }
0xf: {  	s17 =	sadd.s32 s18, s19;
	s18 =	simm.s32 $0x2C00;
	s13 =	smin.u32 s14, $0x50  }
0x10: {  	s19 =	simm.s32 $0x2;
	[dreg:$0x3] =	wrdreg s2;
	s20 =	sadd.s32 $0x4, s13  }
0x11: {  	v0 =	vimm.f32 $0.0e+00;
	s14 =	smin.u32 s31, $0x50;
	s15 =	sshrl.u32 s20, $0x3;
	s20 =	simm.s32 $0x1  }
.LBB2_9:
0x12: {  	s0 =	stileid.u32;
	s3 =	sadd.s32 $0x1, s3  }
0x13: {  	[bflag:$0x0] =	sbarrier.arrive $0xFFFF;
	s0 =	sshll.u32 s0, $0x6;
	p0 =	sne.s32 s3, s16  }
.Ltmp1:
0x14: {  	s2 =	sshrl.u32 s7, $0x3;
	s0 =	sor.u32 $0x1C02, s0;
	(pc) =	sbr.rel @!p0 .LBB2_10-.Ltmp1, $4  }
0x15: {  	[hbm:s17], [sflag:s0] =	dma.local [spmem:s2], $0x2780  }
0x16: {  	_ =	swait.ge [sflag:s19], $0x2780  }
0x17: {  	[sflag:s19] =	ssyncset.done $0x0  }
0x18: {  	[sflag:s19] =	ssyncadd.s32 $0xFFFFD880  }
.LBB2_1:
0x19: {  	s22 =	simm.s32 $0x0;
	s23 =	simm.s32 $0x200  }
.LBB2_2:
0x1a: {  	p0 =	sne.s32 s23, $0xFE00;
	[tilespmem:s22+$0x2C70] =	vst v0  }
0x1b: {  	[tilespmem:s22+$0x2C00] =	vst v0  }
0x1c: {  	[tilespmem:s22+$0x2C10] =	vst v0  }
.Ltmp2:
0x1d: {  	[tilespmem:s22+$0x2C20] =	vst v0;
	(pc) =	sbr.rel @p0 .LBB2_2-.Ltmp2, $4  }
0x1e: {  	[tilespmem:s22+$0x2C30] =	vst v0  }
0x1f: {  	[tilespmem:s22+$0x2C40] =	vst v0  }
0x20: {  	[tilespmem:s22+$0x2C50] =	vst v0  }
0x21: {  	[tilespmem:s22+$0x2C60] =	vst v0;
	s22 =	sshra.s32 s23, $0x2;
	s23 =	sadd.s32 $0x200, s23  }
0x22: {  	[tilespmem:s22+$0x2C70] =	vst v0  }
0x23: {  	[tilespmem:s22+$0x2C00] =	vst v0  }
0x24: {  	[tilespmem:s22+$0x2C10] =	vst v0  }
0x25: {  	[tilespmem:s22+$0x2C20] =	vst v0  }
0x26: {  	[tilespmem:s22+$0x2C30] =	vst v0  }
0x27: {  	[tilespmem:s22+$0x2C40] =	vst v0  }
0x28: {  	[tilespmem:s22+$0x2C50] =	vst v0  }
0x29: {  	[tilespmem:s22+$0x2C60] =	vst v0  }
0x2a: {  	[spmem:s7] =	stream.linear.scatter [tilespmem:s18], [sflag:$0x2], $0x4000, $0x38;
	[tilespmem:$0x1E800] =	vst v63  }
0x2b: {  	_ =	swait.ge [sflag:s19], $0x4000  }
0x2c: {  	[sflag:s19] =	ssyncset.done $0x0  }
0x2d: {  	s0 =	rddreg [dreg:$0x3];
	[sflag:s19] =	ssyncadd.s32 $0xFFFFC000  }
0x2e: {  	[spmem:s0] =	stream.linear.scatter [tilespmem:s18], [sflag:$0x2], $0x4000, $0x38;
	[tilespmem:$0x1E800] =	vst v63  }
0x2f: {  	_ =	swait.ge [sflag:s19], $0x4000  }
0x30: {  	[sflag:s19] =	ssyncset.done $0x0  }
0x31: {  	[sflag:s19] =	ssyncadd.s32 $0xFFFFC000  }
0x32: {  	[spmem:s9] =	stream.linear.scatter [tilespmem:s18], [sflag:$0x2], $0x4000, $0x38;
	[tilespmem:$0x1E800] =	vst v63  }
0x33: {  	_ =	swait.ge [sflag:s19], $0x4000  }
0x34: {  	[sflag:s19] =	ssyncset.done $0x0  }
0x35: {  	[sflag:s19] =	ssyncadd.s32 $0xFFFFC000  }
0x36: {  	[spmem:s10] =	stream.linear.scatter [tilespmem:s18], [sflag:$0x2], $0x4000, $0x38;
	[tilespmem:$0x1E800] =	vst v63  }
0x37: {  	_ =	swait.ge [sflag:s19], $0x4000  }
0x38: {  	[sflag:s19] =	ssyncset.done $0x0  }
0x39: {  	[sflag:s19] =	ssyncadd.s32 $0xFFFFC000  }
0x3a: {  	[spmem:s11] =	stream.linear.scatter [tilespmem:s18], [sflag:$0x2], $0x3C00, $0x38;
	[tilespmem:$0x1E800] =	vst v63  }
0x3b: {  	_ =	swait.ge [sflag:s19], $0x3C00  }
0x3c: {  	[sflag:s19] =	ssyncset.done $0x0  }
0x3d: {  	[sflag:s19] =	ssyncadd.s32 $0xFFFFC400  }
0x3e: {  	s22 =	simm.s32 $0x0;
	[bflag:$0x0] =	sbarrier.arrive $0xFFFF  }
0x3f: {  	[tilespmem:s22], [sflag:$0x2] =	stream.linear.gather [hbm4b:s12+s22], $0x2800, $0x38;
	[tilespmem:$0x1E800] =	vst v63  }
.Ltmp3:
0x40: {  	_ = 	snop;
	(pc) =	sbr.rel .LBB2_4-.Ltmp3, $4  }
0x41: {  	_ =	swait.ge [sflag:s19], $0x2800  }
0x42: {  	s23 =	simm.s32 $0x80;
	s24 =	simm.s32 $0x1;
	[sflag:s19] =	ssyncset.done $0x0  }
0x43: {  	s25 =	smov.u32 s13;
	s26 =	simm.s32 $0x0;
	[sflag:s19] =	ssyncadd.s32 $0xFFFFD800  }
0x44: {  	[tilespmem:s18], [sflag:$0x1] =	stream.indirect.gather [hbm4b:s4+s23], $0x80, s22, s23, $0xb8;
	[tilespmem:$0x1E800] =	vst v63  }
.LBB2_7:
0x45: {  	[sflag:s19] =	ssyncadd.s32 $0xFFFFC000  }
.LBB2_8:
0x46: {  	s26 =	sadd.s32 $0x1, s26  }
0x47: {  	p0 =	sne.s32 s26, s15  }
.Ltmp4:
0x48: {  	_ = 	snop;
	(pc) =	sbr.rel @!p0 .LBB2_9-.Ltmp4, $2  }
0x49: {  	_ =	sdelay $0x2  }
0x4a: {  	s25 =	sadd.s32 $0xFFFFFFF8, s25;
	s24 =	sadd.s32 $0x8, s24;
	s23 =	sadd.s32 $0x400, s23  }
.LBB2_4:
0x4b: {  	s28 =	sshll.u32 s26, $0x3  }
0x4c: {  	s29 =	sadd.s32 s6, s28  }
0x4d: {  	s29 =	sshll.u32 s29, $0x4  }
0x4e: {  	s29 =	sand.u32 $0x1FFFFFF0, s29  }
0x4f: {  	p0 =	sle.s32 s14, s28;
	s29 =	sadd.s32 s5, s29  }
.Ltmp5:
0x50: {  	s30 =	sadd.s32 $0xA000, s29;
	s29 =	simm.s32 $0x2800;
	(pc) =	sbr.rel @p0 .LBB2_8-.Ltmp5, $4  }
0x51: {  	[tilespmem:s29], [sflag:$0x2] =	stream.linear.gather [hbm4b:s30+s22], $0x400, $0x38;
	[tilespmem:$0x1E800] =	vst v63  }
0x52: {  	_ =	swait.ge [sflag:s19], $0x400  }
0x53: {  	[sflag:s19] =	ssyncset.done $0x0  }
0x54: {  	[sflag:s19] =	ssyncadd.s32 $0xFFFFFC00  }
0x55: {  	p0 =	sgt.s32 s25, $0x1;
	s28 =	smov.u32 s25  }
0x56: {  	s30 =	sadd.s32 $0x0, s24;
	s31 =	sand.u32 $0x1, s22;
	_ =	swait.ge [sflag:s20], $0x4000  }
0x57: {  	s28 =	simm.s32 @!p0 $0x1;
	p0 =	sge.u32 s30, s14;
	[sflag:s20] =	ssyncset.done $0x0  }
0x58: {  	s30 =	sshll.u32 @!p0 s31, $0xE;
	[sflag:s20] =	ssyncadd.s32 $0xFFFFC000  }
0x59: {  	s0 =	simm.s32 @!p0 $0x80;
	s28 =	smin.u32 s28, $0x8;
	s30 =	sxor.u32 @!p0 $0x6C00, s30  }
0x5a: {  	[tilespmem:s30], [sflag:$0x1] =	stream.indirect.gather @!p0 [hbm4b:s4+s0], $0x80, s23, s0, $0xb8;
	[tilespmem:$0x1E800] =	vst v63  }
0x5b: {  	p0 =	sne.s32 s28, $0x1  }
.Ltmp6:
0x5c: {  	s31 =	sshll.u32 s31, $0xE;
	(pc) =	sbr.rel @!p0 .LBB2_7-.Ltmp6, $4  }
0x5d: {  	s8 =	sor.u32 $0x2C00, s31  }
0x5e: {  	[spmem:s1] =	stream.indirect.scatter.add.f32 [tilespmem:s8], [sflag:$0x2], $0x80, s29, s21, $0xb8;
	[tilespmem:$0x1E800] =	vst v63  }
0x5f: {  	s31 =	smov.u32 s23;
	_ =	swait.ge [sflag:s19], $0x4000  }
0x60: {  	s30 =	simm.s32 $0x2880;
	s29 =	simm.s32 $0x1;
	[sflag:s19] =	ssyncset.done $0x0  }
.LBB2_6:
0x61: {  	[sflag:s19] =	ssyncadd.s32 $0xFFFFC000  }
0x62: {  	s31 =	sadd.s32 $0x80, s31;
	s0 =	smov.u32 s29;
	s29 =	sadd.s32 $0x1, s29  }
0x63: {  	s2 =	sadd.s32 s0, s24;
	p0 =	sne.s32 s28, s29  }
0x64: {  	s0 =	sand.u32 $0x1, s0;
	_ =	swait.ge [sflag:s20], $0x4000;
	p1 =	sge.u32 s2, s14  }
0x65: {  	[sflag:s20] =	ssyncset.done $0x0;
	s2 =	sshll.u32 @!p1 s0, $0xE;
	s0 =	sshll.u32 s0, $0xE  }
0x66: {  	s8 =	simm.s32 @!p1 $0x80;
	[sflag:s20] =	ssyncadd.s32 $0xFFFFC000;
	s2 =	sxor.u32 @!p1 $0x6C00, s2  }
0x67: {  	[tilespmem:s2], [sflag:$0x1] =	stream.indirect.gather @!p1 [hbm4b:s4+s8], $0x80, s31, s8, $0xb8;
	[tilespmem:$0x1E800] =	vst v63  }
.Ltmp7:
0x68: {  	_ = 	snop;
	(pc) =	sbr.rel @p0 .LBB2_6-.Ltmp7, $4  }
0x69: {  	s0 =	sor.u32 $0x2C00, s0  }
0x6a: {  	[spmem:s1] =	stream.indirect.scatter.add.f32 [tilespmem:s0], [sflag:$0x2], $0x80, s30, s21, $0xb8;
	[tilespmem:$0x1E800] =	vst v63  }
0x6b: {  	_ =	swait.ge [sflag:s19], $0x4000  }
0x6c: {  	s30 =	sadd.s32 $0x80, s30;
	[sflag:s19] =	ssyncset.done $0x0  }
.Ltmp8:
0x6d: {  	_ = 	snop;
	(pc) =	sbr.rel .LBB2_7-.Ltmp8, $1  }
0x6e: {  	_ =	sdelay $0x3  }
.LBB2_10:
0x6f: {  	_ =	sfence.sel $0x180000  }
0x70: {  	[bflag:$0x0] =	sbarrier.arrive $0xFFFF  }
0x71: {  	_ =	strace $0x9000004A  }
0x72: {  	s0 =	stileid.u32;
	[bflag:$0x2] =	sbarrier.arrive $0xFFFF  }
0x73: {  	p0 =	sne.s32 s0, $0x0;
	s0 =	rddreg [dreg:$0x2]  }
0x74: {  	s0 =	sadd.s32 @!p0 $0x100000, s0  }
0x75: {  	[sflag:s0] =	ssyncadd.tile.s32 @!p0 $0x1;
	_ =	shalt  }
.Lfunc_end2:
_tile_overlayer_lowered:
.L_overlay_start_2:
0x76: {  	(tag) =	ssettag $0x2  }
0x77: {  	s0 =	rddreg [dreg:$0x0];
	s2 =	stileid.u32  }
0x78: {  	s1 =	rddreg [dreg:$0x1];
	p0 =	sne.s32 s2, $0x0  }
0x79: {  	s3 =	rddreg [dreg:$0x2];
	[bflag:$0x3] =	sbarrier.arrive $0xFFFF;
	s2 =	simm.s32 @!p0 $0x1C02  }
0x7a: {  	[timem:s3], [sflag:s2] =	dma.local @!p0 [hbm:s0], s1  }
0x7b: {  	s0 =	simm.s32 @!p0 $0x2  }
0x7c: {  	_ =	swait.ge @!p0 [sflag:s0], s1  }
0x7d: {  	s1 =	ssub.s32 @!p0 $0x0, s1;
	[sflag:s0] =	ssyncset.done @!p0 $0x0  }
0x7e: {  	[sflag:s0] =	ssyncadd.s32 @!p0 s1  }
0x7f: {  	[bflag:$0x3] =	sbarrier.arrive $0xFFFF  }
0x80: {  	_ =	shalt  }

</sc_bundles>
